<compile_context>
chip_gen: v7x
topology: tpu7x:2x2x1
jax: 0.10.2.dev20260603
libtpu: 0.0.44.dev20260713+nightly
codegen_flags: <defaults>
</compile_context>

<pallas_src>
import functools

import jax
import jax.numpy as jnp
from jax import lax
from jax.experimental import pallas as pl
from jax.experimental.pallas import tpu as pltpu
from jax.experimental.pallas import tpu_sc as plsc

NC = 2
NS = 16
L = 16
CH = 128
LQ = 8


def _ceil_to(x, m):
    return (x + m - 1) // m * m


def _count_kernel(n_pad, n_rows, stripe):
    mesh = plsc.VectorSubcoreMesh(core_axis_name="c", subcore_axis_name="s")

    @functools.partial(
        pl.kernel,
        mesh=mesh,
        out_type=jax.ShapeDtypeStruct((NC, n_pad), jnp.float32),
        scratch_types=[
            pltpu.VMEM((n_rows, CH), jnp.int32),
            pltpu.VMEM((CH,), jnp.float32),
            pltpu.VMEM((CH,), jnp.int32),
            pltpu.VMEM((stripe,), jnp.float32),
            pltpu.VMEM_SHARED((n_pad,), jnp.float32),
            pltpu.SemaphoreType.DMA,
        ],
    )
    def k(dst_hbm, out_hbm, idx_v, ones_v, spare_v, stripe_v, cnt_sh, ssem):
        c = lax.axis_index("c")
        s = lax.axis_index("s")
        wid = s * NC + c

        for j in range(CH // L):
            ones_v[pl.ds(j * L, L)] = jnp.ones((L,), jnp.float32)

        def zero_body(j, _):
            stripe_v[pl.ds(j * L, L)] = jnp.zeros((L,), jnp.float32)
            return 0

        lax.fori_loop(0, stripe // L, zero_body, 0)
        pltpu.sync_copy(stripe_v, cnt_sh.at[pl.ds(s * stripe, stripe)])
        pltpu.sync_copy(dst_hbm.at[wid], idx_v)
        plsc.subcore_barrier()

        for _ in range(LQ):
            pltpu.async_copy(dst_hbm.at[wid, 0], spare_v, ssem)

        def body(kk, _):
            pltpu.make_async_copy(ones_v, cnt_sh.at[idx_v.at[kk]], ssem).wait()
            pltpu.async_copy(ones_v, cnt_sh.at[idx_v.at[kk]], ssem, add=True)
            return 0

        lax.fori_loop(0, n_rows, body, 0)

        def drain(kk, _):
            pltpu.make_async_copy(ones_v, cnt_sh.at[idx_v.at[kk]], ssem).wait()
            return 0

        lax.fori_loop(0, LQ, drain, 0)
        plsc.subcore_barrier()
        pltpu.sync_copy(cnt_sh.at[pl.ds(s * stripe, stripe)],
                        out_hbm.at[c, pl.ds(s * stripe, stripe)])

    return k


def _agg_kernel(n_pad, d, n_rows, stripe):
    mesh = plsc.VectorSubcoreMesh(core_axis_name="c", subcore_axis_name="s")

    @functools.partial(
        pl.kernel,
        mesh=mesh,
        out_type=jax.ShapeDtypeStruct((NC, n_pad, d), jnp.float32),
        scratch_types=[
            pltpu.VMEM((n_rows, CH), jnp.int32),
            pltpu.VMEM((n_rows, CH), jnp.int32),
            pltpu.VMEM((CH, d), jnp.float32),
            pltpu.VMEM_SHARED((n_pad, d), jnp.float32),
            pltpu.SemaphoreType.DMA,
            pltpu.SemaphoreType.DMA,
        ],
    )
    def k(g_hbm, src_hbm, dst_hbm, out_hbm, idxs_v, idxd_v, rows_v,
          agg_sh, gsem, ssem):
        c = lax.axis_index("c")
        s = lax.axis_index("s")
        wid = s * NC + c

        def z_body(j, _):
            r = j // (d // L)
            col = (j % (d // L)) * L
            rows_v[r, pl.ds(col, L)] = jnp.zeros((L,), jnp.float32)
            return 0

        lax.fori_loop(0, CH * (d // L), z_body, 0)
        for j in range(stripe // CH):
            pltpu.sync_copy(rows_v,
                            agg_sh.at[pl.ds(s * stripe + j * CH, CH)])
        pltpu.sync_copy(src_hbm.at[wid], idxs_v)
        pltpu.sync_copy(dst_hbm.at[wid], idxd_v)
        plsc.subcore_barrier()

        def body(kk, _):
            pltpu.async_copy(g_hbm.at[idxs_v.at[kk]], rows_v, gsem).wait()
            pltpu.async_copy(rows_v, agg_sh.at[idxd_v.at[kk]], ssem,
                             add=True).wait()
            return 0

        lax.fori_loop(0, n_rows, body, 0)
        plsc.subcore_barrier()
        pltpu.sync_copy(agg_sh.at[pl.ds(s * stripe, stripe)],
                        out_hbm.at[c, pl.ds(s * stripe, stripe)])

    return k


def _prescale_kernel(n, d, blk):
    def body(cnt_ref, h_ref, g_ref):
        cc = cnt_ref[...]
        norm = lax.rsqrt(jnp.maximum(cc[:, 0:1] + cc[:, 1:2], 1.0))
        g_ref[...] = h_ref[...] * norm

    return pl.pallas_call(
        body,
        grid=(n // blk,),
        in_specs=[
            pl.BlockSpec((blk, 2), lambda i: (i, 0)),
            pl.BlockSpec((blk, d), lambda i: (i, 0)),
        ],
        out_specs=pl.BlockSpec((blk, d), lambda i: (i, 0)),
        out_shape=jax.ShapeDtypeStruct((n, d), jnp.float32),
    )


def _final_kernel(n, d_in, d_out, blk):
    def body(p_ref, cnt_ref, w_ref, b_ref, o_ref):
        agg = p_ref[0] + p_ref[1]
        cc = cnt_ref[...]
        norm = lax.rsqrt(jnp.maximum(cc[:, 0:1] + cc[:, 1:2], 1.0))
        x = agg * norm
        y = lax.dot_general(x, w_ref[...], (((1,), (1,)), ((), ())),
                            preferred_element_type=jnp.float32)
        o_ref[...] = y + b_ref[...]

    return pl.pallas_call(
        body,
        grid=(n // blk,),
        in_specs=[
            pl.BlockSpec((NC, blk, d_in), lambda i: (0, i, 0)),
            pl.BlockSpec((blk, 2), lambda i: (i, 0)),
            pl.BlockSpec((d_out, d_in), lambda i: (0, 0)),
            pl.BlockSpec((1, d_out), lambda i: (0, 0)),
        ],
        out_specs=pl.BlockSpec((blk, d_out), lambda i: (i, 0)),
        out_shape=jax.ShapeDtypeStruct((n, d_out), jnp.float32),
    )


def kernel(h, edge_index, W, b):
    n, d_in = h.shape
    d_out = W.shape[0]
    e = edge_index.shape[1]
    nw = NC * NS

    src = edge_index[0].astype(jnp.int32)
    dst = edge_index[1].astype(jnp.int32)

    stripe = _ceil_to(n + CH, NS * CH) // NS
    n_pad = stripe * NS
    e_per_tile = _ceil_to((e + nw - 1) // nw, 2 * CH)
    e_pad = e_per_tile * nw
    pad = e_pad - e
    if pad:
        fill = jnp.arange(pad, dtype=jnp.int32)
        src = jnp.concatenate([src, fill % n])
        dst = jnp.concatenate([dst, n + (fill % CH)])
    n_chunks = e_per_tile // CH
    src3 = src.reshape(nw, n_chunks, CH)
    dst3 = dst.reshape(nw, n_chunks, CH)

    spread = jnp.arange(CH, dtype=jnp.int32)

    dst3c = jnp.concatenate(
        [dst3, jnp.broadcast_to(n + spread, (nw, LQ, CH))], axis=1)
    counts = _count_kernel(n_pad, n_chunks + LQ, stripe)(dst3c)
    cnt_t = counts.T

    g = _prescale_kernel(n, d_in, 1000)(cnt_t[:n], h)

    partials = _agg_kernel(n_pad, d_in, n_chunks, stripe)(g, src3, dst3)

    out = _final_kernel(n, d_in, d_out, 1000)(
        partials, cnt_t[:n], W, b.reshape(1, d_out))
    return out

# --- scband reference (transcript-rebuilt; emitter-appended) ---
"""Pipeline reference for scband-gcnlayer-15779709845547 (READ-ONLY COPY).

The authoritative reference and input builder live on the scoring server;
editing this copy changes nothing except your own understanding.
"""

import jax, jax.numpy as jnp
import numpy as np

N_NODES = 10000
N_EDGES = 320000
IN_DIM = 128
OUT_DIM = 128


def setup_inputs(seed: int = 0) -> dict:
    key = jax.random.key(seed)
    k1, k2, k3, k4 = jax.random.split(key, 4)
    h = jax.random.normal(k1, (N_NODES, IN_DIM), dtype=jnp.float32)
    edge_index = jax.random.randint(k2, (2, N_EDGES), 0, N_NODES, dtype=jnp.int64)
    # nn.Linear(in_dim, out_dim) parameters: W [out_dim, in_dim], b [out_dim]
    bound = 1.0 / np.sqrt(IN_DIM)
    W = jax.random.uniform(k3, (OUT_DIM, IN_DIM), dtype=jnp.float32, minval=-bound, maxval=bound)
    b = jax.random.uniform(k4, (OUT_DIM,), dtype=jnp.float32, minval=-bound, maxval=bound)
    return {"h": h, "edge_index": edge_index, "W": W, "b": b}


def reference(h, edge_index, W, b):
    # DGL GCNLayer.forward translation
    src = edge_index[0]
    dst = edge_index[1]
    n = h.shape[0]
    # g.in_degrees().float().clamp(min=1)
    degs = jnp.bincount(dst, length=n).astype(jnp.float32)
    degs = jnp.clip(degs, 1.0, None)
    # norm = degs ** -0.5, unsqueeze(1)
    norm = jnp.power(degs, -0.5)[:, None]
    # h = h * norm (pre-normalize)
    h = h * norm
    # update_all(copy_u('h','m'), sum('m','h')): scatter-add messages from src into dst
    agg = jnp.zeros_like(h).at[dst].add(h[src])
    # h = h * norm (post-normalize)
    h = agg * norm
    # linear layer
    out = h @ W.T + b
    return out

if __name__ == "__main__":
    import jax
    _d = setup_inputs()
    print(jax.jit(kernel)(*tuple(_d.values())))

</pallas_src>

<mosaic_0001>
#map = affine_map<(d0, d1) -> (0, 0)>
#map1 = affine_map<(d0, d1) -> (0, 0, 0)>
module attributes {stable_mosaic.version = 14 : i64} {
  func.func @k(%arg0: i32, %arg1: i32, %arg2: memref<10000x128xf32, #tpu.memory_space<hbm>>, %arg3: memref<32x80x128xi32, #tpu.memory_space<hbm>>, %arg4: memref<32x80x128xi32, #tpu.memory_space<hbm>>, %arg5: memref<2x10240x128xf32, #tpu.memory_space<hbm>>, %arg6: memref<80x128xi32, #tpu.memory_space<vmem>>, %arg7: memref<80x128xi32, #tpu.memory_space<vmem>>, %arg8: memref<128x128xf32, #tpu.memory_space<vmem>>, %arg9: memref<10240x128xf32, #tpu.memory_space<vmem_shared>>, %arg10: memref<!tpu.dma_semaphore, #tpu.memory_space<semaphore_mem>>, %arg11: memref<!tpu.dma_semaphore, #tpu.memory_space<semaphore_mem>>) attributes {dimension_semantics = [#tpu.dimension_semantics<core_parallel>, #tpu.dimension_semantics<subcore_parallel>], iteration_bounds = array<i64: 2, 16>, scalar_prefetch = 0 : i64, scratch_operands = 6 : i64, tpu.core_type = #tpu.core_type<sc_vector_subcore>, window_params = [{transform_indices = #map}, {transform_indices = #map1}, {transform_indices = #map1}, {transform_indices = #map1}]} {
    %mul3A = arith.constant 2 : i32
    %mul3A_0 = arith.muli %arg1, %mul3A : i32
    %add3A = arith.addi %mul3A_0, %arg0 : i32
    %scan3A = arith.constant 0 : i32
    %scan3A_1 = arith.constant 0 : i32
    %scan3A_2 = arith.constant 1024 : i32
    %scan3A_3 = arith.addi %scan3A_1, %scan3A_2 : i32
    %scan3A_4 = arith.constant 1 : i32
    %scan3A_5 = scf.for %scan3A_39 = %scan3A_1 to %scan3A_3 step %scan3A_4 iter_args(%scan3A_40 = %scan3A) -> (i32)  : i32 {
      %jit3A = arith.constant 8 : i32
      %div3A = arith.divsi %scan3A_39, %jit3A : i32
      %sign3A = arith.constant 0 : i32
      %sign3A_41 = arith.cmpi sgt, %scan3A_39, %sign3A : i32
      %sign3A_42 = arith.extui %sign3A_41 : i1 to i32
      %sign3A_43 = arith.constant 0 : i32
      %sign3A_44 = arith.cmpi slt, %scan3A_39, %sign3A_43 : i32
      %sign3A_45 = arith.extui %sign3A_44 : i1 to i32
      %sign3A_46 = arith.subi %sign3A_42, %sign3A_45 : i32
      %sign3A_47 = arith.constant 0 : i32
      %sign3A_48 = arith.cmpi sgt, %jit3A, %sign3A_47 : i32
      %sign3A_49 = arith.extui %sign3A_48 : i1 to i32
      %sign3A_50 = arith.constant 0 : i32
      %sign3A_51 = arith.cmpi slt, %jit3A, %sign3A_50 : i32
      %sign3A_52 = arith.extui %sign3A_51 : i1 to i32
      %sign3A_53 = arith.subi %sign3A_49, %sign3A_52 : i32
      %ne3A = arith.cmpi ne, %sign3A_46, %sign3A_53 : i32
      %rem3A = arith.remsi %scan3A_39, %jit3A : i32
      %ne3A_54 = arith.constant 0 : i32
      %ne3A_55 = arith.cmpi ne, %rem3A, %ne3A_54 : i32
      %and3A = arith.andi %ne3A, %ne3A_55 : i1
      %sub3A = arith.constant 1 : i32
      %sub3A_56 = arith.subi %div3A, %sub3A : i32
      %select_n3A = arith.select %and3A, %sub3A_56, %div3A : i32
      %jit3A_57 = arith.constant 8 : i32
      %eq3A = arith.constant 0 : i32
      %eq3A_58 = arith.cmpi eq, %jit3A_57, %eq3A : i32
      %jit3A_59 = arith.constant 1 : i32
      %select_n3A_60 = arith.select %eq3A_58, %jit3A_59, %jit3A_57 : i32
      %rem3A_61 = arith.remsi %scan3A_39, %select_n3A_60 : i32
      %ne3A_62 = arith.constant 0 : i32
      %ne3A_63 = arith.cmpi ne, %rem3A_61, %ne3A_62 : i32
      %lt3A = arith.constant 0 : i32
      %lt3A_64 = arith.cmpi slt, %rem3A_61, %lt3A : i32
      %lt3A_65 = arith.constant 0 : i32
      %lt3A_66 = arith.cmpi slt, %select_n3A_60, %lt3A_65 : i32
      %ne3A_67 = arith.xori %lt3A_64, %lt3A_66 : i1
      %and3A_68 = arith.andi %ne3A_67, %ne3A_63 : i1
      %add3A_69 = arith.addi %rem3A_61, %select_n3A_60 : i32
      %select_n3A_70 = arith.select %and3A_68, %add3A_69, %rem3A_61 : i32
      %mul3A_71 = arith.constant 16 : i32
      %mul3A_72 = arith.muli %select_n3A_70, %mul3A_71 : i32
      %broadcast_in_dim3A = arith.constant 0.000000e+00 : f32
      %broadcast_in_dim3A_73 = vector.broadcast %broadcast_in_dim3A : f32 to vector<16xf32>
      %swap3A = arith.index_cast %select_n3A : i32 to index
      %swap3A_74 = arith.index_cast %mul3A_72 : i32 to index
      %swap3A_75 = tpu.vector_load %arg8[%swap3A, %swap3A_74] {strides = array<i32>} : memref<128x128xf32, #tpu.memory_space<vmem>>, vector<1x16xf32>,
      %swap3A_76 = vector.shape_cast %swap3A_75 : vector<1x16xf32> to vector<16xf32>
      %swap3A_77 = vector.shape_cast %broadcast_in_dim3A_73 : vector<16xf32> to vector<1x16xf32>
      tpu.vector_store %arg8[%swap3A, %swap3A_74], %swap3A_77 {strides = array<i32>} : memref<128x128xf32, #tpu.memory_space<vmem>>, vector<1x16xf32>,
      %scan3A_78 = arith.constant 0 : i32
      scf.yield %scan3A_78 : i32
    }
    %scan3A_6 = arith.constant 1024 : i32
    %mul3A_7 = arith.constant 640 : i32
    %mul3A_8 = arith.muli %arg1, %mul3A_7 : i32
    %add3A_9 = arith.constant 0 : i32
    %add3A_10 = arith.addi %mul3A_8, %add3A_9 : i32
    "tpu.region"() ({
      %run_scoped3A = tpu.sem_alloc : memref<!tpu.dma_semaphore, #tpu.memory_space<semaphore_mem>>
      %dma_start3A = arith.constant 0 : i32
      %dma_start3A_39 = tpu.memref_slice %arg9[%add3A_10, %dma_start3A] : memref<10240x128xf32, #tpu.memory_space<vmem_shared>> -> memref<128x128xf32, #tpu.memory_space<vmem_shared>>
      %dma_start3A_40 = arith.constant 0 : i32
      %dma_start3A_41 = tpu.memref_slice %arg9[%add3A_10, %dma_start3A_40] : memref<10240x128xf32, #tpu.memory_space<vmem_shared>> -> memref<128x128xf32, #tpu.memory_space<vmem_shared>>
      tpu.enqueue_dma source(%arg8 : memref<128x128xf32, #tpu.memory_space<vmem>>) target(%dma_start3A_41 : memref<128x128xf32, #tpu.memory_space<vmem_shared>>) target_semaphore(%run_scoped3A : memref<!tpu.dma_semaphore, #tpu.memory_space<semaphore_mem>>)
      %dma_wait3A = arith.constant 0 : i32
      %dma_wait3A_42 = tpu.memref_slice %arg9[%add3A_10, %dma_wait3A] : memref<10240x128xf32, #tpu.memory_space<vmem_shared>> -> memref<128x128xf32, #tpu.memory_space<vmem_shared>>
      %dma_wait3A_43 = arith.constant 0 : i32
      %dma_wait3A_44 = tpu.memref_slice %arg9[%add3A_10, %dma_wait3A_43] : memref<10240x128xf32, #tpu.memory_space<vmem_shared>> -> memref<128x128xf32, #tpu.memory_space<vmem_shared>>
      tpu.wait_dma2 semaphore(%run_scoped3A : memref<!tpu.dma_semaphore, #tpu.memory_space<semaphore_mem>>) src(%arg8 : memref<128x128xf32, #tpu.memory_space<vmem>>) dst(%dma_wait3A_44 : memref<128x128xf32, #tpu.memory_space<vmem_shared>>)
      tpu.yield
    }) : () -> ()
    %mul3A_11 = arith.constant 640 : i32
    %mul3A_12 = arith.muli %arg1, %mul3A_11 : i32
    %add3A_13 = arith.constant 128 : i32
    %add3A_14 = arith.addi %mul3A_12, %add3A_13 : i32
    "tpu.region"() ({
      %run_scoped3A = tpu.sem_alloc : memref<!tpu.dma_semaphore, #tpu.memory_space<semaphore_mem>>
      %dma_start3A = arith.constant 0 : i32
      %dma_start3A_39 = tpu.memref_slice %arg9[%add3A_14, %dma_start3A] : memref<10240x128xf32, #tpu.memory_space<vmem_shared>> -> memref<128x128xf32, #tpu.memory_space<vmem_shared>>
      %dma_start3A_40 = arith.constant 0 : i32
      %dma_start3A_41 = tpu.memref_slice %arg9[%add3A_14, %dma_start3A_40] : memref<10240x128xf32, #tpu.memory_space<vmem_shared>> -> memref<128x128xf32, #tpu.memory_space<vmem_shared>>
      tpu.enqueue_dma source(%arg8 : memref<128x128xf32, #tpu.memory_space<vmem>>) target(%dma_start3A_41 : memref<128x128xf32, #tpu.memory_space<vmem_shared>>) target_semaphore(%run_scoped3A : memref<!tpu.dma_semaphore, #tpu.memory_space<semaphore_mem>>)
      %dma_wait3A = arith.constant 0 : i32
      %dma_wait3A_42 = tpu.memref_slice %arg9[%add3A_14, %dma_wait3A] : memref<10240x128xf32, #tpu.memory_space<vmem_shared>> -> memref<128x128xf32, #tpu.memory_space<vmem_shared>>
      %dma_wait3A_43 = arith.constant 0 : i32
      %dma_wait3A_44 = tpu.memref_slice %arg9[%add3A_14, %dma_wait3A_43] : memref<10240x128xf32, #tpu.memory_space<vmem_shared>> -> memref<128x128xf32, #tpu.memory_space<vmem_shared>>
      tpu.wait_dma2 semaphore(%run_scoped3A : memref<!tpu.dma_semaphore, #tpu.memory_space<semaphore_mem>>) src(%arg8 : memref<128x128xf32, #tpu.memory_space<vmem>>) dst(%dma_wait3A_44 : memref<128x128xf32, #tpu.memory_space<vmem_shared>>)
      tpu.yield
    }) : () -> ()
    %mul3A_15 = arith.constant 640 : i32
    %mul3A_16 = arith.muli %arg1, %mul3A_15 : i32
    %add3A_17 = arith.constant 256 : i32
    %add3A_18 = arith.addi %mul3A_16, %add3A_17 : i32
    "tpu.region"() ({
      %run_scoped3A = tpu.sem_alloc : memref<!tpu.dma_semaphore, #tpu.memory_space<semaphore_mem>>
      %dma_start3A = arith.constant 0 : i32
      %dma_start3A_39 = tpu.memref_slice %arg9[%add3A_18, %dma_start3A] : memref<10240x128xf32, #tpu.memory_space<vmem_shared>> -> memref<128x128xf32, #tpu.memory_space<vmem_shared>>
      %dma_start3A_40 = arith.constant 0 : i32
      %dma_start3A_41 = tpu.memref_slice %arg9[%add3A_18, %dma_start3A_40] : memref<10240x128xf32, #tpu.memory_space<vmem_shared>> -> memref<128x128xf32, #tpu.memory_space<vmem_shared>>
      tpu.enqueue_dma source(%arg8 : memref<128x128xf32, #tpu.memory_space<vmem>>) target(%dma_start3A_41 : memref<128x128xf32, #tpu.memory_space<vmem_shared>>) target_semaphore(%run_scoped3A : memref<!tpu.dma_semaphore, #tpu.memory_space<semaphore_mem>>)
      %dma_wait3A = arith.constant 0 : i32
      %dma_wait3A_42 = tpu.memref_slice %arg9[%add3A_18, %dma_wait3A] : memref<10240x128xf32, #tpu.memory_space<vmem_shared>> -> memref<128x128xf32, #tpu.memory_space<vmem_shared>>
      %dma_wait3A_43 = arith.constant 0 : i32
      %dma_wait3A_44 = tpu.memref_slice %arg9[%add3A_18, %dma_wait3A_43] : memref<10240x128xf32, #tpu.memory_space<vmem_shared>> -> memref<128x128xf32, #tpu.memory_space<vmem_shared>>
      tpu.wait_dma2 semaphore(%run_scoped3A : memref<!tpu.dma_semaphore, #tpu.memory_space<semaphore_mem>>) src(%arg8 : memref<128x128xf32, #tpu.memory_space<vmem>>) dst(%dma_wait3A_44 : memref<128x128xf32, #tpu.memory_space<vmem_shared>>)
      tpu.yield
    }) : () -> ()
    %mul3A_19 = arith.constant 640 : i32
    %mul3A_20 = arith.muli %arg1, %mul3A_19 : i32
    %add3A_21 = arith.constant 384 : i32
    %add3A_22 = arith.addi %mul3A_20, %add3A_21 : i32
    "tpu.region"() ({
      %run_scoped3A = tpu.sem_alloc : memref<!tpu.dma_semaphore, #tpu.memory_space<semaphore_mem>>
      %dma_start3A = arith.constant 0 : i32
      %dma_start3A_39 = tpu.memref_slice %arg9[%add3A_22, %dma_start3A] : memref<10240x128xf32, #tpu.memory_space<vmem_shared>> -> memref<128x128xf32, #tpu.memory_space<vmem_shared>>
      %dma_start3A_40 = arith.constant 0 : i32
      %dma_start3A_41 = tpu.memref_slice %arg9[%add3A_22, %dma_start3A_40] : memref<10240x128xf32, #tpu.memory_space<vmem_shared>> -> memref<128x128xf32, #tpu.memory_space<vmem_shared>>
      tpu.enqueue_dma source(%arg8 : memref<128x128xf32, #tpu.memory_space<vmem>>) target(%dma_start3A_41 : memref<128x128xf32, #tpu.memory_space<vmem_shared>>) target_semaphore(%run_scoped3A : memref<!tpu.dma_semaphore, #tpu.memory_space<semaphore_mem>>)
      %dma_wait3A = arith.constant 0 : i32
      %dma_wait3A_42 = tpu.memref_slice %arg9[%add3A_22, %dma_wait3A] : memref<10240x128xf32, #tpu.memory_space<vmem_shared>> -> memref<128x128xf32, #tpu.memory_space<vmem_shared>>
      %dma_wait3A_43 = arith.constant 0 : i32
      %dma_wait3A_44 = tpu.memref_slice %arg9[%add3A_22, %dma_wait3A_43] : memref<10240x128xf32, #tpu.memory_space<vmem_shared>> -> memref<128x128xf32, #tpu.memory_space<vmem_shared>>
      tpu.wait_dma2 semaphore(%run_scoped3A : memref<!tpu.dma_semaphore, #tpu.memory_space<semaphore_mem>>) src(%arg8 : memref<128x128xf32, #tpu.memory_space<vmem>>) dst(%dma_wait3A_44 : memref<128x128xf32, #tpu.memory_space<vmem_shared>>)
      tpu.yield
    }) : () -> ()
    %mul3A_23 = arith.constant 640 : i32
    %mul3A_24 = arith.muli %arg1, %mul3A_23 : i32
    %add3A_25 = arith.constant 512 : i32
    %add3A_26 = arith.addi %mul3A_24, %add3A_25 : i32
    "tpu.region"() ({
      %run_scoped3A = tpu.sem_alloc : memref<!tpu.dma_semaphore, #tpu.memory_space<semaphore_mem>>
      %dma_start3A = arith.constant 0 : i32
      %dma_start3A_39 = tpu.memref_slice %arg9[%add3A_26, %dma_start3A] : memref<10240x128xf32, #tpu.memory_space<vmem_shared>> -> memref<128x128xf32, #tpu.memory_space<vmem_shared>>
      %dma_start3A_40 = arith.constant 0 : i32
      %dma_start3A_41 = tpu.memref_slice %arg9[%add3A_26, %dma_start3A_40] : memref<10240x128xf32, #tpu.memory_space<vmem_shared>> -> memref<128x128xf32, #tpu.memory_space<vmem_shared>>
      tpu.enqueue_dma source(%arg8 : memref<128x128xf32, #tpu.memory_space<vmem>>) target(%dma_start3A_41 : memref<128x128xf32, #tpu.memory_space<vmem_shared>>) target_semaphore(%run_scoped3A : memref<!tpu.dma_semaphore, #tpu.memory_space<semaphore_mem>>)
      %dma_wait3A = arith.constant 0 : i32
      %dma_wait3A_42 = tpu.memref_slice %arg9[%add3A_26, %dma_wait3A] : memref<10240x128xf32, #tpu.memory_space<vmem_shared>> -> memref<128x128xf32, #tpu.memory_space<vmem_shared>>
      %dma_wait3A_43 = arith.constant 0 : i32
      %dma_wait3A_44 = tpu.memref_slice %arg9[%add3A_26, %dma_wait3A_43] : memref<10240x128xf32, #tpu.memory_space<vmem_shared>> -> memref<128x128xf32, #tpu.memory_space<vmem_shared>>
      tpu.wait_dma2 semaphore(%run_scoped3A : memref<!tpu.dma_semaphore, #tpu.memory_space<semaphore_mem>>) src(%arg8 : memref<128x128xf32, #tpu.memory_space<vmem>>) dst(%dma_wait3A_44 : memref<128x128xf32, #tpu.memory_space<vmem_shared>>)
      tpu.yield
    }) : () -> ()
    "tpu.region"() ({
      %run_scoped3A = tpu.sem_alloc : memref<!tpu.dma_semaphore, #tpu.memory_space<semaphore_mem>>
      %dma_start3A = arith.constant 0 : i32
      %dma_start3A_39 = arith.constant 0 : i32
      %dma_start3A_40 = tpu.memref_slice %arg3[%add3A, %dma_start3A, %dma_start3A_39] : memref<32x80x128xi32, #tpu.memory_space<hbm>> -> memref<1x80x128xi32, #tpu.memory_space<hbm>>
      %dma_start3A_41 = tpu.memref_squeeze %dma_start3A_40 : memref<1x80x128xi32, #tpu.memory_space<hbm>> -> memref<80x128xi32, #tpu.memory_space<hbm>>
      %dma_start3A_42 = arith.constant 0 : i32
      %dma_start3A_43 = arith.constant 0 : i32
      %dma_start3A_44 = tpu.memref_slice %arg3[%add3A, %dma_start3A_42, %dma_start3A_43] : memref<32x80x128xi32, #tpu.memory_space<hbm>> -> memref<1x80x128xi32, #tpu.memory_space<hbm>>
      %dma_start3A_45 = tpu.memref_squeeze %dma_start3A_44 : memref<1x80x128xi32, #tpu.memory_space<hbm>> -> memref<80x128xi32, #tpu.memory_space<hbm>>
      tpu.enqueue_dma source(%dma_start3A_45 : memref<80x128xi32, #tpu.memory_space<hbm>>) target(%arg6 : memref<80x128xi32, #tpu.memory_space<vmem>>) target_semaphore(%run_scoped3A : memref<!tpu.dma_semaphore, #tpu.memory_space<semaphore_mem>>)
      %dma_wait3A = arith.constant 0 : i32
      %dma_wait3A_46 = arith.constant 0 : i32
      %dma_wait3A_47 = tpu.memref_slice %arg3[%add3A, %dma_wait3A, %dma_wait3A_46] : memref<32x80x128xi32, #tpu.memory_space<hbm>> -> memref<1x80x128xi32, #tpu.memory_space<hbm>>
      %dma_wait3A_48 = tpu.memref_squeeze %dma_wait3A_47 : memref<1x80x128xi32, #tpu.memory_space<hbm>> -> memref<80x128xi32, #tpu.memory_space<hbm>>
      %dma_wait3A_49 = arith.constant 0 : i32
      %dma_wait3A_50 = arith.constant 0 : i32
      %dma_wait3A_51 = tpu.memref_slice %arg3[%add3A, %dma_wait3A_49, %dma_wait3A_50] : memref<32x80x128xi32, #tpu.memory_space<hbm>> -> memref<1x80x128xi32, #tpu.memory_space<hbm>>
      %dma_wait3A_52 = tpu.memref_squeeze %dma_wait3A_51 : memref<1x80x128xi32, #tpu.memory_space<hbm>> -> memref<80x128xi32, #tpu.memory_space<hbm>>
      tpu.wait_dma2 semaphore(%run_scoped3A : memref<!tpu.dma_semaphore, #tpu.memory_space<semaphore_mem>>) src(%dma_wait3A_52 : memref<80x128xi32, #tpu.memory_space<hbm>>) dst(%arg6 : memref<80x128xi32, #tpu.memory_space<vmem>>)
      tpu.yield
    }) : () -> ()
    "tpu.region"() ({
      %run_scoped3A = tpu.sem_alloc : memref<!tpu.dma_semaphore, #tpu.memory_space<semaphore_mem>>
      %dma_start3A = arith.constant 0 : i32
      %dma_start3A_39 = arith.constant 0 : i32
      %dma_start3A_40 = tpu.memref_slice %arg4[%add3A, %dma_start3A, %dma_start3A_39] : memref<32x80x128xi32, #tpu.memory_space<hbm>> -> memref<1x80x128xi32, #tpu.memory_space<hbm>>
      %dma_start3A_41 = tpu.memref_squeeze %dma_start3A_40 : memref<1x80x128xi32, #tpu.memory_space<hbm>> -> memref<80x128xi32, #tpu.memory_space<hbm>>
      %dma_start3A_42 = arith.constant 0 : i32
      %dma_start3A_43 = arith.constant 0 : i32
      %dma_start3A_44 = tpu.memref_slice %arg4[%add3A, %dma_start3A_42, %dma_start3A_43] : memref<32x80x128xi32, #tpu.memory_space<hbm>> -> memref<1x80x128xi32, #tpu.memory_space<hbm>>
      %dma_start3A_45 = tpu.memref_squeeze %dma_start3A_44 : memref<1x80x128xi32, #tpu.memory_space<hbm>> -> memref<80x128xi32, #tpu.memory_space<hbm>>
      tpu.enqueue_dma source(%dma_start3A_45 : memref<80x128xi32, #tpu.memory_space<hbm>>) target(%arg7 : memref<80x128xi32, #tpu.memory_space<vmem>>) target_semaphore(%run_scoped3A : memref<!tpu.dma_semaphore, #tpu.memory_space<semaphore_mem>>)
      %dma_wait3A = arith.constant 0 : i32
      %dma_wait3A_46 = arith.constant 0 : i32
      %dma_wait3A_47 = tpu.memref_slice %arg4[%add3A, %dma_wait3A, %dma_wait3A_46] : memref<32x80x128xi32, #tpu.memory_space<hbm>> -> memref<1x80x128xi32, #tpu.memory_space<hbm>>
      %dma_wait3A_48 = tpu.memref_squeeze %dma_wait3A_47 : memref<1x80x128xi32, #tpu.memory_space<hbm>> -> memref<80x128xi32, #tpu.memory_space<hbm>>
      %dma_wait3A_49 = arith.constant 0 : i32
      %dma_wait3A_50 = arith.constant 0 : i32
      %dma_wait3A_51 = tpu.memref_slice %arg4[%add3A, %dma_wait3A_49, %dma_wait3A_50] : memref<32x80x128xi32, #tpu.memory_space<hbm>> -> memref<1x80x128xi32, #tpu.memory_space<hbm>>
      %dma_wait3A_52 = tpu.memref_squeeze %dma_wait3A_51 : memref<1x80x128xi32, #tpu.memory_space<hbm>> -> memref<80x128xi32, #tpu.memory_space<hbm>>
      tpu.wait_dma2 semaphore(%run_scoped3A : memref<!tpu.dma_semaphore, #tpu.memory_space<semaphore_mem>>) src(%dma_wait3A_52 : memref<80x128xi32, #tpu.memory_space<hbm>>) dst(%arg7 : memref<80x128xi32, #tpu.memory_space<vmem>>)
      tpu.yield
    }) : () -> ()
    %barrier3A = arith.constant 0 : index
    tpu.barrier barrier_id(%barrier3A)
    %scan3A_27 = arith.constant 0 : i32
    %scan3A_28 = arith.constant 0 : i32
    %scan3A_29 = arith.constant 80 : i32
    %scan3A_30 = arith.addi %scan3A_28, %scan3A_29 : i32
    %scan3A_31 = arith.constant 1 : i32
    %scan3A_32 = scf.for %scan3A_39 = %scan3A_28 to %scan3A_30 step %scan3A_31 iter_args(%scan3A_40 = %scan3A_27) -> (i32)  : i32 {
      %dma_start3A = arith.constant 0 : i32
      %dma_start3A_41 = tpu.memref_slice %arg6[%scan3A_39, %dma_start3A] : memref<80x128xi32, #tpu.memory_space<vmem>> -> memref<1x128xi32, #tpu.memory_space<vmem>>
      %dma_start3A_42 = tpu.memref_squeeze %dma_start3A_41 : memref<1x128xi32, #tpu.memory_space<vmem>> -> memref<128xi32, #tpu.memory_space<vmem>>
      %dma_start3A_43 = arith.constant 0 : i32
      %dma_start3A_44 = arith.constant 0 : i32
      %dma_start3A_45 = tpu.memref_slice %arg2[%dma_start3A_43, %dma_start3A_44] : memref<10000x128xf32, #tpu.memory_space<hbm>> -> memref<10000x128xf32, #tpu.memory_space<hbm>>
      tpu.enqueue_indirect_dma source(%dma_start3A_45 : memref<10000x128xf32, #tpu.memory_space<hbm>>) target(%arg8 : memref<128x128xf32, #tpu.memory_space<vmem>>) offsets(%dma_start3A_42 : memref<128xi32, #tpu.memory_space<vmem>>) semaphore(%arg10 : memref<!tpu.dma_semaphore, #tpu.memory_space<semaphore_mem>>)
      %dma_wait3A = arith.constant 0 : i32
      %dma_wait3A_46 = tpu.memref_slice %arg6[%scan3A_39, %dma_wait3A] : memref<80x128xi32, #tpu.memory_space<vmem>> -> memref<1x128xi32, #tpu.memory_space<vmem>>
      %dma_wait3A_47 = tpu.memref_squeeze %dma_wait3A_46 : memref<1x128xi32, #tpu.memory_space<vmem>> -> memref<128xi32, #tpu.memory_space<vmem>>
      %dma_wait3A_48 = arith.constant 0 : i32
      %dma_wait3A_49 = arith.constant 0 : i32
      %dma_wait3A_50 = tpu.memref_slice %arg2[%dma_wait3A_48, %dma_wait3A_49] : memref<10000x128xf32, #tpu.memory_space<hbm>> -> memref<10000x128xf32, #tpu.memory_space<hbm>>
      tpu.wait_indirect_dma semaphore(%arg10 : memref<!tpu.dma_semaphore, #tpu.memory_space<semaphore_mem>>) src(%dma_wait3A_50 : memref<10000x128xf32, #tpu.memory_space<hbm>>) dst(%arg8 : memref<128x128xf32, #tpu.memory_space<vmem>>)
      %dma_start3A_51 = arith.constant 0 : i32
      %dma_start3A_52 = tpu.memref_slice %arg7[%scan3A_39, %dma_start3A_51] : memref<80x128xi32, #tpu.memory_space<vmem>> -> memref<1x128xi32, #tpu.memory_space<vmem>>
      %dma_start3A_53 = tpu.memref_squeeze %dma_start3A_52 : memref<1x128xi32, #tpu.memory_space<vmem>> -> memref<128xi32, #tpu.memory_space<vmem>>
      %dma_start3A_54 = arith.constant 0 : i32
      %dma_start3A_55 = arith.constant 0 : i32
      %dma_start3A_56 = tpu.memref_slice %arg9[%dma_start3A_54, %dma_start3A_55] : memref<10240x128xf32, #tpu.memory_space<vmem_shared>> -> memref<10240x128xf32, #tpu.memory_space<vmem_shared>>
      tpu.enqueue_indirect_dma source(%arg8 : memref<128x128xf32, #tpu.memory_space<vmem>>) target(%dma_start3A_56 : memref<10240x128xf32, #tpu.memory_space<vmem_shared>>) offsets(%dma_start3A_53 : memref<128xi32, #tpu.memory_space<vmem>>) semaphore(%arg11 : memref<!tpu.dma_semaphore, #tpu.memory_space<semaphore_mem>>) {add = true}
      %dma_wait3A_57 = arith.constant 0 : i32
      %dma_wait3A_58 = tpu.memref_slice %arg7[%scan3A_39, %dma_wait3A_57] : memref<80x128xi32, #tpu.memory_space<vmem>> -> memref<1x128xi32, #tpu.memory_space<vmem>>
      %dma_wait3A_59 = tpu.memref_squeeze %dma_wait3A_58 : memref<1x128xi32, #tpu.memory_space<vmem>> -> memref<128xi32, #tpu.memory_space<vmem>>
      %dma_wait3A_60 = arith.constant 0 : i32
      %dma_wait3A_61 = arith.constant 0 : i32
      %dma_wait3A_62 = tpu.memref_slice %arg9[%dma_wait3A_60, %dma_wait3A_61] : memref<10240x128xf32, #tpu.memory_space<vmem_shared>> -> memref<10240x128xf32, #tpu.memory_space<vmem_shared>>
      tpu.wait_indirect_dma semaphore(%arg11 : memref<!tpu.dma_semaphore, #tpu.memory_space<semaphore_mem>>) src(%arg8 : memref<128x128xf32, #tpu.memory_space<vmem>>) dst(%dma_wait3A_62 : memref<10240x128xf32, #tpu.memory_space<vmem_shared>>)
      %scan3A_63 = arith.constant 0 : i32
      scf.yield %scan3A_63 : i32
    }
    %scan3A_33 = arith.constant 80 : i32
    %barrier3A_34 = arith.constant 0 : index
    tpu.barrier barrier_id(%barrier3A_34)
    %mul3A_35 = arith.constant 640 : i32
    %mul3A_36 = arith.muli %arg1, %mul3A_35 : i32
    %mul3A_37 = arith.constant 640 : i32
    %mul3A_38 = arith.muli %arg1, %mul3A_37 : i32
    "tpu.region"() ({
      %run_scoped3A = tpu.sem_alloc : memref<!tpu.dma_semaphore, #tpu.memory_space<semaphore_mem>>
      %dma_start3A = arith.constant 0 : i32
      %dma_start3A_39 = tpu.memref_slice %arg5[%arg0, %mul3A_38, %dma_start3A] : memref<2x10240x128xf32, #tpu.memory_space<hbm>> -> memref<1x640x128xf32, #tpu.memory_space<hbm>>
      %dma_start3A_40 = tpu.memref_squeeze %dma_start3A_39 : memref<1x640x128xf32, #tpu.memory_space<hbm>> -> memref<640x128xf32, #tpu.memory_space<hbm>>
      %dma_start3A_41 = arith.constant 0 : i32
      %dma_start3A_42 = tpu.memref_slice %arg9[%mul3A_36, %dma_start3A_41] : memref<10240x128xf32, #tpu.memory_space<vmem_shared>> -> memref<640x128xf32, #tpu.memory_space<vmem_shared>>
      tpu.enqueue_dma source(%dma_start3A_42 : memref<640x128xf32, #tpu.memory_space<vmem_shared>>) target(%dma_start3A_40 : memref<640x128xf32, #tpu.memory_space<hbm>>) target_semaphore(%run_scoped3A : memref<!tpu.dma_semaphore, #tpu.memory_space<semaphore_mem>>)
      %dma_wait3A = arith.constant 0 : i32
      %dma_wait3A_43 = tpu.memref_slice %arg5[%arg0, %mul3A_38, %dma_wait3A] : memref<2x10240x128xf32, #tpu.memory_space<hbm>> -> memref<1x640x128xf32, #tpu.memory_space<hbm>>
      %dma_wait3A_44 = tpu.memref_squeeze %dma_wait3A_43 : memref<1x640x128xf32, #tpu.memory_space<hbm>> -> memref<640x128xf32, #tpu.memory_space<hbm>>
      %dma_wait3A_45 = arith.constant 0 : i32
      %dma_wait3A_46 = tpu.memref_slice %arg9[%mul3A_36, %dma_wait3A_45] : memref<10240x128xf32, #tpu.memory_space<vmem_shared>> -> memref<640x128xf32, #tpu.memory_space<vmem_shared>>
      tpu.wait_dma2 semaphore(%run_scoped3A : memref<!tpu.dma_semaphore, #tpu.memory_space<semaphore_mem>>) src(%dma_wait3A_46 : memref<640x128xf32, #tpu.memory_space<vmem_shared>>) dst(%dma_wait3A_44 : memref<640x128xf32, #tpu.memory_space<hbm>>)
      tpu.yield
    }) : () -> ()
    return
  }
}

#map = affine_map<(d0, d1) -> (0, 0, 0)>
#map1 = affine_map<(d0, d1) -> (0, 0)>
module attributes {stable_mosaic.version = 14 : i64} {
  func.func @k(%arg0: i32, %arg1: i32, %arg2: memref<32x88x128xi32, #tpu.memory_space<hbm>>, %arg3: memref<2x10240xf32, #tpu.memory_space<hbm>>, %arg4: memref<88x128xi32, #tpu.memory_space<vmem>>, %arg5: memref<128xf32, #tpu.memory_space<vmem>>, %arg6: memref<128xi32, #tpu.memory_space<vmem>>, %arg7: memref<640xf32, #tpu.memory_space<vmem>>, %arg8: memref<10240xf32, #tpu.memory_space<vmem_shared>>, %arg9: memref<!tpu.dma_semaphore, #tpu.memory_space<semaphore_mem>>) attributes {dimension_semantics = [#tpu.dimension_semantics<core_parallel>, #tpu.dimension_semantics<subcore_parallel>], iteration_bounds = array<i64: 2, 16>, scalar_prefetch = 0 : i64, scratch_operands = 6 : i64, tpu.core_type = #tpu.core_type<sc_vector_subcore>, window_params = [{transform_indices = #map}, {transform_indices = #map1}]} {
    %mul3A = arith.constant 2 : i32
    %mul3A_0 = arith.muli %arg1, %mul3A : i32
    %add3A = arith.addi %mul3A_0, %arg0 : i32
    %broadcast_in_dim3A = arith.constant 1.000000e+00 : f32
    %broadcast_in_dim3A_1 = vector.broadcast %broadcast_in_dim3A : f32 to vector<16xf32>
    %swap3A = arith.constant 0 : index
    %swap3A_2 = tpu.vector_load %arg5[%swap3A] {strides = array<i32>} : memref<128xf32, #tpu.memory_space<vmem>>, vector<16xf32>,
    %swap3A_3 = vector.shape_cast %swap3A_2 : vector<16xf32> to vector<16xf32>
    %swap3A_4 = vector.shape_cast %broadcast_in_dim3A_1 : vector<16xf32> to vector<16xf32>
    tpu.vector_store %arg5[%swap3A], %swap3A_4 {strides = array<i32>} : memref<128xf32, #tpu.memory_space<vmem>>, vector<16xf32>,
    %broadcast_in_dim3A_5 = arith.constant 1.000000e+00 : f32
    %broadcast_in_dim3A_6 = vector.broadcast %broadcast_in_dim3A_5 : f32 to vector<16xf32>
    %swap3A_7 = arith.constant 16 : index
    %swap3A_8 = tpu.vector_load %arg5[%swap3A_7] {strides = array<i32>} : memref<128xf32, #tpu.memory_space<vmem>>, vector<16xf32>,
    %swap3A_9 = vector.shape_cast %swap3A_8 : vector<16xf32> to vector<16xf32>
    %swap3A_10 = vector.shape_cast %broadcast_in_dim3A_6 : vector<16xf32> to vector<16xf32>
    tpu.vector_store %arg5[%swap3A_7], %swap3A_10 {strides = array<i32>} : memref<128xf32, #tpu.memory_space<vmem>>, vector<16xf32>,
    %broadcast_in_dim3A_11 = arith.constant 1.000000e+00 : f32
    %broadcast_in_dim3A_12 = vector.broadcast %broadcast_in_dim3A_11 : f32 to vector<16xf32>
    %swap3A_13 = arith.constant 32 : index
    %swap3A_14 = tpu.vector_load %arg5[%swap3A_13] {strides = array<i32>} : memref<128xf32, #tpu.memory_space<vmem>>, vector<16xf32>,
    %swap3A_15 = vector.shape_cast %swap3A_14 : vector<16xf32> to vector<16xf32>
    %swap3A_16 = vector.shape_cast %broadcast_in_dim3A_12 : vector<16xf32> to vector<16xf32>
    tpu.vector_store %arg5[%swap3A_13], %swap3A_16 {strides = array<i32>} : memref<128xf32, #tpu.memory_space<vmem>>, vector<16xf32>,
    %broadcast_in_dim3A_17 = arith.constant 1.000000e+00 : f32
    %broadcast_in_dim3A_18 = vector.broadcast %broadcast_in_dim3A_17 : f32 to vector<16xf32>
    %swap3A_19 = arith.constant 48 : index
    %swap3A_20 = tpu.vector_load %arg5[%swap3A_19] {strides = array<i32>} : memref<128xf32, #tpu.memory_space<vmem>>, vector<16xf32>,
    %swap3A_21 = vector.shape_cast %swap3A_20 : vector<16xf32> to vector<16xf32>
    %swap3A_22 = vector.shape_cast %broadcast_in_dim3A_18 : vector<16xf32> to vector<16xf32>
    tpu.vector_store %arg5[%swap3A_19], %swap3A_22 {strides = array<i32>} : memref<128xf32, #tpu.memory_space<vmem>>, vector<16xf32>,
    %broadcast_in_dim3A_23 = arith.constant 1.000000e+00 : f32
    %broadcast_in_dim3A_24 = vector.broadcast %broadcast_in_dim3A_23 : f32 to vector<16xf32>
    %swap3A_25 = arith.constant 64 : index
    %swap3A_26 = tpu.vector_load %arg5[%swap3A_25] {strides = array<i32>} : memref<128xf32, #tpu.memory_space<vmem>>, vector<16xf32>,
    %swap3A_27 = vector.shape_cast %swap3A_26 : vector<16xf32> to vector<16xf32>
    %swap3A_28 = vector.shape_cast %broadcast_in_dim3A_24 : vector<16xf32> to vector<16xf32>
    tpu.vector_store %arg5[%swap3A_25], %swap3A_28 {strides = array<i32>} : memref<128xf32, #tpu.memory_space<vmem>>, vector<16xf32>,
    %broadcast_in_dim3A_29 = arith.constant 1.000000e+00 : f32
    %broadcast_in_dim3A_30 = vector.broadcast %broadcast_in_dim3A_29 : f32 to vector<16xf32>
    %swap3A_31 = arith.constant 80 : index
    %swap3A_32 = tpu.vector_load %arg5[%swap3A_31] {strides = array<i32>} : memref<128xf32, #tpu.memory_space<vmem>>, vector<16xf32>,
    %swap3A_33 = vector.shape_cast %swap3A_32 : vector<16xf32> to vector<16xf32>
    %swap3A_34 = vector.shape_cast %broadcast_in_dim3A_30 : vector<16xf32> to vector<16xf32>
    tpu.vector_store %arg5[%swap3A_31], %swap3A_34 {strides = array<i32>} : memref<128xf32, #tpu.memory_space<vmem>>, vector<16xf32>,
    %broadcast_in_dim3A_35 = arith.constant 1.000000e+00 : f32
    %broadcast_in_dim3A_36 = vector.broadcast %broadcast_in_dim3A_35 : f32 to vector<16xf32>
    %swap3A_37 = arith.constant 96 : index
    %swap3A_38 = tpu.vector_load %arg5[%swap3A_37] {strides = array<i32>} : memref<128xf32, #tpu.memory_space<vmem>>, vector<16xf32>,
    %swap3A_39 = vector.shape_cast %swap3A_38 : vector<16xf32> to vector<16xf32>
    %swap3A_40 = vector.shape_cast %broadcast_in_dim3A_36 : vector<16xf32> to vector<16xf32>
    tpu.vector_store %arg5[%swap3A_37], %swap3A_40 {strides = array<i32>} : memref<128xf32, #tpu.memory_space<vmem>>, vector<16xf32>,
    %broadcast_in_dim3A_41 = arith.constant 1.000000e+00 : f32
    %broadcast_in_dim3A_42 = vector.broadcast %broadcast_in_dim3A_41 : f32 to vector<16xf32>
    %swap3A_43 = arith.constant 112 : index
    %swap3A_44 = tpu.vector_load %arg5[%swap3A_43] {strides = array<i32>} : memref<128xf32, #tpu.memory_space<vmem>>, vector<16xf32>,
    %swap3A_45 = vector.shape_cast %swap3A_44 : vector<16xf32> to vector<16xf32>
    %swap3A_46 = vector.shape_cast %broadcast_in_dim3A_42 : vector<16xf32> to vector<16xf32>
    tpu.vector_store %arg5[%swap3A_43], %swap3A_46 {strides = array<i32>} : memref<128xf32, #tpu.memory_space<vmem>>, vector<16xf32>,
    %scan3A = arith.constant 0 : i32
    %scan3A_47 = arith.constant 0 : i32
    %scan3A_48 = arith.constant 40 : i32
    %scan3A_49 = arith.addi %scan3A_47, %scan3A_48 : i32
    %scan3A_50 = arith.constant 1 : i32
    %scan3A_51 = scf.for %scan3A_129 = %scan3A_47 to %scan3A_49 step %scan3A_50 iter_args(%scan3A_130 = %scan3A) -> (i32)  : i32 {
      %broadcast_in_dim3A_131 = arith.constant 0.000000e+00 : f32
      %broadcast_in_dim3A_132 = vector.broadcast %broadcast_in_dim3A_131 : f32 to vector<16xf32>
      %mul3A_133 = arith.constant 16 : i32
      %mul3A_134 = arith.muli %scan3A_129, %mul3A_133 : i32
      %swap3A_135 = arith.index_cast %mul3A_134 : i32 to index
      %swap3A_136 = tpu.vector_load %arg7[%swap3A_135] {strides = array<i32>} : memref<640xf32, #tpu.memory_space<vmem>>, vector<16xf32>,
      %swap3A_137 = vector.shape_cast %swap3A_136 : vector<16xf32> to vector<16xf32>
      %swap3A_138 = vector.shape_cast %broadcast_in_dim3A_132 : vector<16xf32> to vector<16xf32>
      tpu.vector_store %arg7[%swap3A_135], %swap3A_138 {strides = array<i32>} : memref<640xf32, #tpu.memory_space<vmem>>, vector<16xf32>,
      %scan3A_139 = arith.constant 0 : i32
      scf.yield %scan3A_139 : i32
    }
    %scan3A_52 = arith.constant 40 : i32
    %mul3A_53 = arith.constant 640 : i32
    %mul3A_54 = arith.muli %arg1, %mul3A_53 : i32
    "tpu.region"() ({
      %run_scoped3A = tpu.sem_alloc : memref<!tpu.dma_semaphore, #tpu.memory_space<semaphore_mem>>
      %dma_start3A_129 = tpu.memref_slice %arg8[%mul3A_54] : memref<10240xf32, #tpu.memory_space<vmem_shared>> -> memref<640xf32, #tpu.memory_space<vmem_shared>>
      %dma_start3A_130 = tpu.memref_slice %arg8[%mul3A_54] : memref<10240xf32, #tpu.memory_space<vmem_shared>> -> memref<640xf32, #tpu.memory_space<vmem_shared>>
      tpu.enqueue_dma source(%arg7 : memref<640xf32, #tpu.memory_space<vmem>>) target(%dma_start3A_130 : memref<640xf32, #tpu.memory_space<vmem_shared>>) target_semaphore(%run_scoped3A : memref<!tpu.dma_semaphore, #tpu.memory_space<semaphore_mem>>)
      %dma_wait3A = tpu.memref_slice %arg8[%mul3A_54] : memref<10240xf32, #tpu.memory_space<vmem_shared>> -> memref<640xf32, #tpu.memory_space<vmem_shared>>
      %dma_wait3A_131 = tpu.memref_slice %arg8[%mul3A_54] : memref<10240xf32, #tpu.memory_space<vmem_shared>> -> memref<640xf32, #tpu.memory_space<vmem_shared>>
      tpu.wait_dma2 semaphore(%run_scoped3A : memref<!tpu.dma_semaphore, #tpu.memory_space<semaphore_mem>>) src(%arg7 : memref<640xf32, #tpu.memory_space<vmem>>) dst(%dma_wait3A_131 : memref<640xf32, #tpu.memory_space<vmem_shared>>)
      tpu.yield
    }) : () -> ()
    "tpu.region"() ({
      %run_scoped3A = tpu.sem_alloc : memref<!tpu.dma_semaphore, #tpu.memory_space<semaphore_mem>>
      %dma_start3A_129 = arith.constant 0 : i32
      %dma_start3A_130 = arith.constant 0 : i32
      %dma_start3A_131 = tpu.memref_slice %arg2[%add3A, %dma_start3A_129, %dma_start3A_130] : memref<32x88x128xi32, #tpu.memory_space<hbm>> -> memref<1x88x128xi32, #tpu.memory_space<hbm>>
      %dma_start3A_132 = tpu.memref_squeeze %dma_start3A_131 : memref<1x88x128xi32, #tpu.memory_space<hbm>> -> memref<88x128xi32, #tpu.memory_space<hbm>>
      %dma_start3A_133 = arith.constant 0 : i32
      %dma_start3A_134 = arith.constant 0 : i32
      %dma_start3A_135 = tpu.memref_slice %arg2[%add3A, %dma_start3A_133, %dma_start3A_134] : memref<32x88x128xi32, #tpu.memory_space<hbm>> -> memref<1x88x128xi32, #tpu.memory_space<hbm>>
      %dma_start3A_136 = tpu.memref_squeeze %dma_start3A_135 : memref<1x88x128xi32, #tpu.memory_space<hbm>> -> memref<88x128xi32, #tpu.memory_space<hbm>>
      tpu.enqueue_dma source(%dma_start3A_136 : memref<88x128xi32, #tpu.memory_space<hbm>>) target(%arg4 : memref<88x128xi32, #tpu.memory_space<vmem>>) target_semaphore(%run_scoped3A : memref<!tpu.dma_semaphore, #tpu.memory_space<semaphore_mem>>)
      %dma_wait3A = arith.constant 0 : i32
      %dma_wait3A_137 = arith.constant 0 : i32
      %dma_wait3A_138 = tpu.memref_slice %arg2[%add3A, %dma_wait3A, %dma_wait3A_137] : memref<32x88x128xi32, #tpu.memory_space<hbm>> -> memref<1x88x128xi32, #tpu.memory_space<hbm>>
      %dma_wait3A_139 = tpu.memref_squeeze %dma_wait3A_138 : memref<1x88x128xi32, #tpu.memory_space<hbm>> -> memref<88x128xi32, #tpu.memory_space<hbm>>
      %dma_wait3A_140 = arith.constant 0 : i32
      %dma_wait3A_141 = arith.constant 0 : i32
      %dma_wait3A_142 = tpu.memref_slice %arg2[%add3A, %dma_wait3A_140, %dma_wait3A_141] : memref<32x88x128xi32, #tpu.memory_space<hbm>> -> memref<1x88x128xi32, #tpu.memory_space<hbm>>
      %dma_wait3A_143 = tpu.memref_squeeze %dma_wait3A_142 : memref<1x88x128xi32, #tpu.memory_space<hbm>> -> memref<88x128xi32, #tpu.memory_space<hbm>>
      tpu.wait_dma2 semaphore(%run_scoped3A : memref<!tpu.dma_semaphore, #tpu.memory_space<semaphore_mem>>) src(%dma_wait3A_143 : memref<88x128xi32, #tpu.memory_space<hbm>>) dst(%arg4 : memref<88x128xi32, #tpu.memory_space<vmem>>)
      tpu.yield
    }) : () -> ()
    %barrier3A = arith.constant 0 : index
    tpu.barrier barrier_id(%barrier3A)
    %dma_start3A = arith.constant 0 : i32
    %dma_start3A_55 = arith.constant 0 : i32
    %dma_start3A_56 = tpu.memref_slice %arg2[%add3A, %dma_start3A, %dma_start3A_55] : memref<32x88x128xi32, #tpu.memory_space<hbm>> -> memref<1x1x128xi32, #tpu.memory_space<hbm>>
    %dma_start3A_57 = tpu.memref_squeeze %dma_start3A_56 : memref<1x1x128xi32, #tpu.memory_space<hbm>> -> memref<128xi32, #tpu.memory_space<hbm>>
    %dma_start3A_58 = arith.constant 0 : i32
    %dma_start3A_59 = tpu.memref_slice %arg2[%add3A, %dma_start3A, %dma_start3A_58] : memref<32x88x128xi32, #tpu.memory_space<hbm>> -> memref<1x1x128xi32, #tpu.memory_space<hbm>>
    %dma_start3A_60 = tpu.memref_squeeze %dma_start3A_59 : memref<1x1x128xi32, #tpu.memory_space<hbm>> -> memref<128xi32, #tpu.memory_space<hbm>>
    tpu.enqueue_dma source(%dma_start3A_60 : memref<128xi32, #tpu.memory_space<hbm>>) target(%arg6 : memref<128xi32, #tpu.memory_space<vmem>>) target_semaphore(%arg9 : memref<!tpu.dma_semaphore, #tpu.memory_space<semaphore_mem>>)
    %dma_start3A_61 = arith.constant 0 : i32
    %dma_start3A_62 = arith.constant 0 : i32
    %dma_start3A_63 = tpu.memref_slice %arg2[%add3A, %dma_start3A_61, %dma_start3A_62] : memref<32x88x128xi32, #tpu.memory_space<hbm>> -> memref<1x1x128xi32, #tpu.memory_space<hbm>>
    %dma_start3A_64 = tpu.memref_squeeze %dma_start3A_63 : memref<1x1x128xi32, #tpu.memory_space<hbm>> -> memref<128xi32, #tpu.memory_space<hbm>>
    %dma_start3A_65 = arith.constant 0 : i32
    %dma_start3A_66 = tpu.memref_slice %arg2[%add3A, %dma_start3A_61, %dma_start3A_65] : memref<32x88x128xi32, #tpu.memory_space<hbm>> -> memref<1x1x128xi32, #tpu.memory_space<hbm>>
    %dma_start3A_67 = tpu.memref_squeeze %dma_start3A_66 : memref<1x1x128xi32, #tpu.memory_space<hbm>> -> memref<128xi32, #tpu.memory_space<hbm>>
    tpu.enqueue_dma source(%dma_start3A_67 : memref<128xi32, #tpu.memory_space<hbm>>) target(%arg6 : memref<128xi32, #tpu.memory_space<vmem>>) target_semaphore(%arg9 : memref<!tpu.dma_semaphore, #tpu.memory_space<semaphore_mem>>)
    %dma_start3A_68 = arith.constant 0 : i32
    %dma_start3A_69 = arith.constant 0 : i32
    %dma_start3A_70 = tpu.memref_slice %arg2[%add3A, %dma_start3A_68, %dma_start3A_69] : memref<32x88x128xi32, #tpu.memory_space<hbm>> -> memref<1x1x128xi32, #tpu.memory_space<hbm>>
    %dma_start3A_71 = tpu.memref_squeeze %dma_start3A_70 : memref<1x1x128xi32, #tpu.memory_space<hbm>> -> memref<128xi32, #tpu.memory_space<hbm>>
    %dma_start3A_72 = arith.constant 0 : i32
    %dma_start3A_73 = tpu.memref_slice %arg2[%add3A, %dma_start3A_68, %dma_start3A_72] : memref<32x88x128xi32, #tpu.memory_space<hbm>> -> memref<1x1x128xi32, #tpu.memory_space<hbm>>
    %dma_start3A_74 = tpu.memref_squeeze %dma_start3A_73 : memref<1x1x128xi32, #tpu.memory_space<hbm>> -> memref<128xi32, #tpu.memory_space<hbm>>
    tpu.enqueue_dma source(%dma_start3A_74 : memref<128xi32, #tpu.memory_space<hbm>>) target(%arg6 : memref<128xi32, #tpu.memory_space<vmem>>) target_semaphore(%arg9 : memref<!tpu.dma_semaphore, #tpu.memory_space<semaphore_mem>>)
    %dma_start3A_75 = arith.constant 0 : i32
    %dma_start3A_76 = arith.constant 0 : i32
    %dma_start3A_77 = tpu.memref_slice %arg2[%add3A, %dma_start3A_75, %dma_start3A_76] : memref<32x88x128xi32, #tpu.memory_space<hbm>> -> memref<1x1x128xi32, #tpu.memory_space<hbm>>
    %dma_start3A_78 = tpu.memref_squeeze %dma_start3A_77 : memref<1x1x128xi32, #tpu.memory_space<hbm>> -> memref<128xi32, #tpu.memory_space<hbm>>
    %dma_start3A_79 = arith.constant 0 : i32
    %dma_start3A_80 = tpu.memref_slice %arg2[%add3A, %dma_start3A_75, %dma_start3A_79] : memref<32x88x128xi32, #tpu.memory_space<hbm>> -> memref<1x1x128xi32, #tpu.memory_space<hbm>>
    %dma_start3A_81 = tpu.memref_squeeze %dma_start3A_80 : memref<1x1x128xi32, #tpu.memory_space<hbm>> -> memref<128xi32, #tpu.memory_space<hbm>>
    tpu.enqueue_dma source(%dma_start3A_81 : memref<128xi32, #tpu.memory_space<hbm>>) target(%arg6 : memref<128xi32, #tpu.memory_space<vmem>>) target_semaphore(%arg9 : memref<!tpu.dma_semaphore, #tpu.memory_space<semaphore_mem>>)
    %dma_start3A_82 = arith.constant 0 : i32
    %dma_start3A_83 = arith.constant 0 : i32
    %dma_start3A_84 = tpu.memref_slice %arg2[%add3A, %dma_start3A_82, %dma_start3A_83] : memref<32x88x128xi32, #tpu.memory_space<hbm>> -> memref<1x1x128xi32, #tpu.memory_space<hbm>>
    %dma_start3A_85 = tpu.memref_squeeze %dma_start3A_84 : memref<1x1x128xi32, #tpu.memory_space<hbm>> -> memref<128xi32, #tpu.memory_space<hbm>>
    %dma_start3A_86 = arith.constant 0 : i32
    %dma_start3A_87 = tpu.memref_slice %arg2[%add3A, %dma_start3A_82, %dma_start3A_86] : memref<32x88x128xi32, #tpu.memory_space<hbm>> -> memref<1x1x128xi32, #tpu.memory_space<hbm>>
    %dma_start3A_88 = tpu.memref_squeeze %dma_start3A_87 : memref<1x1x128xi32, #tpu.memory_space<hbm>> -> memref<128xi32, #tpu.memory_space<hbm>>
    tpu.enqueue_dma source(%dma_start3A_88 : memref<128xi32, #tpu.memory_space<hbm>>) target(%arg6 : memref<128xi32, #tpu.memory_space<vmem>>) target_semaphore(%arg9 : memref<!tpu.dma_semaphore, #tpu.memory_space<semaphore_mem>>)
    %dma_start3A_89 = arith.constant 0 : i32
    %dma_start3A_90 = arith.constant 0 : i32
    %dma_start3A_91 = tpu.memref_slice %arg2[%add3A, %dma_start3A_89, %dma_start3A_90] : memref<32x88x128xi32, #tpu.memory_space<hbm>> -> memref<1x1x128xi32, #tpu.memory_space<hbm>>
    %dma_start3A_92 = tpu.memref_squeeze %dma_start3A_91 : memref<1x1x128xi32, #tpu.memory_space<hbm>> -> memref<128xi32, #tpu.memory_space<hbm>>
    %dma_start3A_93 = arith.constant 0 : i32
    %dma_start3A_94 = tpu.memref_slice %arg2[%add3A, %dma_start3A_89, %dma_start3A_93] : memref<32x88x128xi32, #tpu.memory_space<hbm>> -> memref<1x1x128xi32, #tpu.memory_space<hbm>>
    %dma_start3A_95 = tpu.memref_squeeze %dma_start3A_94 : memref<1x1x128xi32, #tpu.memory_space<hbm>> -> memref<128xi32, #tpu.memory_space<hbm>>
    tpu.enqueue_dma source(%dma_start3A_95 : memref<128xi32, #tpu.memory_space<hbm>>) target(%arg6 : memref<128xi32, #tpu.memory_space<vmem>>) target_semaphore(%arg9 : memref<!tpu.dma_semaphore, #tpu.memory_space<semaphore_mem>>)
    %dma_start3A_96 = arith.constant 0 : i32
    %dma_start3A_97 = arith.constant 0 : i32
    %dma_start3A_98 = tpu.memref_slice %arg2[%add3A, %dma_start3A_96, %dma_start3A_97] : memref<32x88x128xi32, #tpu.memory_space<hbm>> -> memref<1x1x128xi32, #tpu.memory_space<hbm>>
    %dma_start3A_99 = tpu.memref_squeeze %dma_start3A_98 : memref<1x1x128xi32, #tpu.memory_space<hbm>> -> memref<128xi32, #tpu.memory_space<hbm>>
    %dma_start3A_100 = arith.constant 0 : i32
    %dma_start3A_101 = tpu.memref_slice %arg2[%add3A, %dma_start3A_96, %dma_start3A_100] : memref<32x88x128xi32, #tpu.memory_space<hbm>> -> memref<1x1x128xi32, #tpu.memory_space<hbm>>
    %dma_start3A_102 = tpu.memref_squeeze %dma_start3A_101 : memref<1x1x128xi32, #tpu.memory_space<hbm>> -> memref<128xi32, #tpu.memory_space<hbm>>
    tpu.enqueue_dma source(%dma_start3A_102 : memref<128xi32, #tpu.memory_space<hbm>>) target(%arg6 : memref<128xi32, #tpu.memory_space<vmem>>) target_semaphore(%arg9 : memref<!tpu.dma_semaphore, #tpu.memory_space<semaphore_mem>>)
    %dma_start3A_103 = arith.constant 0 : i32
    %dma_start3A_104 = arith.constant 0 : i32
    %dma_start3A_105 = tpu.memref_slice %arg2[%add3A, %dma_start3A_103, %dma_start3A_104] : memref<32x88x128xi32, #tpu.memory_space<hbm>> -> memref<1x1x128xi32, #tpu.memory_space<hbm>>
    %dma_start3A_106 = tpu.memref_squeeze %dma_start3A_105 : memref<1x1x128xi32, #tpu.memory_space<hbm>> -> memref<128xi32, #tpu.memory_space<hbm>>
    %dma_start3A_107 = arith.constant 0 : i32
    %dma_start3A_108 = tpu.memref_slice %arg2[%add3A, %dma_start3A_103, %dma_start3A_107] : memref<32x88x128xi32, #tpu.memory_space<hbm>> -> memref<1x1x128xi32, #tpu.memory_space<hbm>>
    %dma_start3A_109 = tpu.memref_squeeze %dma_start3A_108 : memref<1x1x128xi32, #tpu.memory_space<hbm>> -> memref<128xi32, #tpu.memory_space<hbm>>
    tpu.enqueue_dma source(%dma_start3A_109 : memref<128xi32, #tpu.memory_space<hbm>>) target(%arg6 : memref<128xi32, #tpu.memory_space<vmem>>) target_semaphore(%arg9 : memref<!tpu.dma_semaphore, #tpu.memory_space<semaphore_mem>>)
    %scan3A_110 = arith.constant 0 : i32
    %scan3A_111 = arith.constant 0 : i32
    %scan3A_112 = arith.constant 88 : i32
    %scan3A_113 = arith.addi %scan3A_111, %scan3A_112 : i32
    %scan3A_114 = arith.constant 1 : i32
    %scan3A_115 = scf.for %scan3A_129 = %scan3A_111 to %scan3A_113 step %scan3A_114 iter_args(%scan3A_130 = %scan3A_110) -> (i32)  : i32 {
      %dma_wait3A = arith.constant 0 : i32
      %dma_wait3A_131 = tpu.memref_slice %arg4[%scan3A_129, %dma_wait3A] : memref<88x128xi32, #tpu.memory_space<vmem>> -> memref<1x128xi32, #tpu.memory_space<vmem>>
      %dma_wait3A_132 = tpu.memref_squeeze %dma_wait3A_131 : memref<1x128xi32, #tpu.memory_space<vmem>> -> memref<128xi32, #tpu.memory_space<vmem>>
      %dma_wait3A_133 = arith.constant 0 : i32
      %dma_wait3A_134 = tpu.memref_slice %arg8[%dma_wait3A_133] : memref<10240xf32, #tpu.memory_space<vmem_shared>> -> memref<10240xf32, #tpu.memory_space<vmem_shared>>
      tpu.wait_indirect_dma semaphore(%arg9 : memref<!tpu.dma_semaphore, #tpu.memory_space<semaphore_mem>>) src(%arg5 : memref<128xf32, #tpu.memory_space<vmem>>) dst(%dma_wait3A_134 : memref<10240xf32, #tpu.memory_space<vmem_shared>>)
      %dma_start3A_135 = arith.constant 0 : i32
      %dma_start3A_136 = tpu.memref_slice %arg4[%scan3A_129, %dma_start3A_135] : memref<88x128xi32, #tpu.memory_space<vmem>> -> memref<1x128xi32, #tpu.memory_space<vmem>>
      %dma_start3A_137 = tpu.memref_squeeze %dma_start3A_136 : memref<1x128xi32, #tpu.memory_space<vmem>> -> memref<128xi32, #tpu.memory_space<vmem>>
      %dma_start3A_138 = arith.constant 0 : i32
      %dma_start3A_139 = tpu.memref_slice %arg8[%dma_start3A_138] : memref<10240xf32, #tpu.memory_space<vmem_shared>> -> memref<10240xf32, #tpu.memory_space<vmem_shared>>
      tpu.enqueue_indirect_dma source(%arg5 : memref<128xf32, #tpu.memory_space<vmem>>) target(%dma_start3A_139 : memref<10240xf32, #tpu.memory_space<vmem_shared>>) offsets(%dma_start3A_137 : memref<128xi32, #tpu.memory_space<vmem>>) semaphore(%arg9 : memref<!tpu.dma_semaphore, #tpu.memory_space<semaphore_mem>>) {add = true}
      %scan3A_140 = arith.constant 0 : i32
      scf.yield %scan3A_140 : i32
    }
    %scan3A_116 = arith.constant 88 : i32
    %scan3A_117 = arith.constant 0 : i32
    %scan3A_118 = arith.constant 0 : i32
    %scan3A_119 = arith.constant 8 : i32
    %scan3A_120 = arith.addi %scan3A_118, %scan3A_119 : i32
    %scan3A_121 = arith.constant 1 : i32
    %scan3A_122 = scf.for %scan3A_129 = %scan3A_118 to %scan3A_120 step %scan3A_121 iter_args(%scan3A_130 = %scan3A_117) -> (i32)  : i32 {
      %dma_wait3A = arith.constant 0 : i32
      %dma_wait3A_131 = tpu.memref_slice %arg4[%scan3A_129, %dma_wait3A] : memref<88x128xi32, #tpu.memory_space<vmem>> -> memref<1x128xi32, #tpu.memory_space<vmem>>
      %dma_wait3A_132 = tpu.memref_squeeze %dma_wait3A_131 : memref<1x128xi32, #tpu.memory_space<vmem>> -> memref<128xi32, #tpu.memory_space<vmem>>
      %dma_wait3A_133 = arith.constant 0 : i32
      %dma_wait3A_134 = tpu.memref_slice %arg8[%dma_wait3A_133] : memref<10240xf32, #tpu.memory_space<vmem_shared>> -> memref<10240xf32, #tpu.memory_space<vmem_shared>>
      tpu.wait_indirect_dma semaphore(%arg9 : memref<!tpu.dma_semaphore, #tpu.memory_space<semaphore_mem>>) src(%arg5 : memref<128xf32, #tpu.memory_space<vmem>>) dst(%dma_wait3A_134 : memref<10240xf32, #tpu.memory_space<vmem_shared>>)
      %scan3A_135 = arith.constant 0 : i32
      scf.yield %scan3A_135 : i32
    }
    %scan3A_123 = arith.constant 8 : i32
    %barrier3A_124 = arith.constant 0 : index
    tpu.barrier barrier_id(%barrier3A_124)
    %mul3A_125 = arith.constant 640 : i32
    %mul3A_126 = arith.muli %arg1, %mul3A_125 : i32
    %mul3A_127 = arith.constant 640 : i32
    %mul3A_128 = arith.muli %arg1, %mul3A_127 : i32
    "tpu.region"() ({
      %run_scoped3A = tpu.sem_alloc : memref<!tpu.dma_semaphore, #tpu.memory_space<semaphore_mem>>
      %dma_start3A_129 = tpu.memref_slice %arg3[%arg0, %mul3A_128] : memref<2x10240xf32, #tpu.memory_space<hbm>> -> memref<1x640xf32, #tpu.memory_space<hbm>>
      %dma_start3A_130 = tpu.memref_squeeze %dma_start3A_129 : memref<1x640xf32, #tpu.memory_space<hbm>> -> memref<640xf32, #tpu.memory_space<hbm>>
      %dma_start3A_131 = tpu.memref_slice %arg8[%mul3A_126] : memref<10240xf32, #tpu.memory_space<vmem_shared>> -> memref<640xf32, #tpu.memory_space<vmem_shared>>
      tpu.enqueue_dma source(%dma_start3A_131 : memref<640xf32, #tpu.memory_space<vmem_shared>>) target(%dma_start3A_130 : memref<640xf32, #tpu.memory_space<hbm>>) target_semaphore(%run_scoped3A : memref<!tpu.dma_semaphore, #tpu.memory_space<semaphore_mem>>)
      %dma_wait3A = tpu.memref_slice %arg3[%arg0, %mul3A_128] : memref<2x10240xf32, #tpu.memory_space<hbm>> -> memref<1x640xf32, #tpu.memory_space<hbm>>
      %dma_wait3A_132 = tpu.memref_squeeze %dma_wait3A : memref<1x640xf32, #tpu.memory_space<hbm>> -> memref<640xf32, #tpu.memory_space<hbm>>
      %dma_wait3A_133 = tpu.memref_slice %arg8[%mul3A_126] : memref<10240xf32, #tpu.memory_space<vmem_shared>> -> memref<640xf32, #tpu.memory_space<vmem_shared>>
      tpu.wait_dma2 semaphore(%run_scoped3A : memref<!tpu.dma_semaphore, #tpu.memory_space<semaphore_mem>>) src(%dma_wait3A_133 : memref<640xf32, #tpu.memory_space<vmem_shared>>) dst(%dma_wait3A_132 : memref<640xf32, #tpu.memory_space<hbm>>)
      tpu.yield
    }) : () -> ()
    return
  }
}

module attributes {stable_mosaic.version = 14 : i64} {
  func.func @body(%arg0: i32, %arg1: memref<1000x2xf32, #tpu.memory_space<vmem>>, %arg2: memref<1000x128xf32, #tpu.memory_space<vmem>>, %arg3: memref<1000x128xf32, #tpu.memory_space<vmem>>) attributes {dimension_semantics = [#tpu.dimension_semantics<arbitrary>], iteration_bounds = array<i64: 10>, scalar_prefetch = 0 : i64, scratch_operands = 0 : i64, tpu.core_type = #tpu.core_type<tc>, window_params = [{transform_indices = @transform_0, window_bounds = array<i64: 1000, 2>}, {transform_indices = @transform_1, window_bounds = array<i64: 1000, 128>}, {transform_indices = @transform_2, window_bounds = array<i64: 1000, 128>}]} {
    %get3A = arith.constant 0 : index
    %get3A_0 = arith.constant 0 : index
    %get3A_1 = vector.load %arg1[%get3A, %get3A_0] : memref<1000x2xf32, #tpu.memory_space<vmem>>, vector<1000x2xf32>
    %slice3A = vector.extract_strided_slice %get3A_1 {offsets = [0, 0], sizes = [1000, 1], strides = [1, 1]} : vector<1000x2xf32> to vector<1000x1xf32>
    %slice3A_2 = vector.extract_strided_slice %get3A_1 {offsets = [0, 1], sizes = [1000, 1], strides = [1, 1]} : vector<1000x2xf32> to vector<1000x1xf32>
    %add3A = arith.addf %slice3A, %slice3A_2 : vector<1000x1xf32>
    %max3A = arith.constant 1.000000e+00 : f32
    %max3A_3 = vector.broadcast %max3A : f32 to vector<1000x1xf32>
    %max3A_4 = arith.maximumf %add3A, %max3A_3 : vector<1000x1xf32>
    %rsqrt3A = math.rsqrt %max3A_4 : vector<1000x1xf32>
    %get3A_5 = arith.constant 0 : index
    %get3A_6 = arith.constant 0 : index
    %get3A_7 = vector.load %arg2[%get3A_5, %get3A_6] : memref<1000x128xf32, #tpu.memory_space<vmem>>, vector<1000x128xf32>
    %mul3A = vector.broadcast %rsqrt3A : vector<1000x1xf32> to vector<1000x128xf32>
    %mul3A_8 = arith.mulf %get3A_7, %mul3A : vector<1000x128xf32>
    %swap3A = arith.constant 0 : index
    %swap3A_9 = arith.constant 0 : index
    %swap3A_10 = vector.load %arg3[%swap3A, %swap3A_9] : memref<1000x128xf32, #tpu.memory_space<vmem>>, vector<1000x128xf32>
    tpu.vector_store %arg3[%swap3A, %swap3A_9], %mul3A_8 {strides = array<i32>} : memref<1000x128xf32, #tpu.memory_space<vmem>>, vector<1000x128xf32>,
    return
  }
  func.func @transform_0(%arg0: i32) -> (i32, i32) {
    %c0_i32 = arith.constant 0 : i32
    %c0_i32_0 = arith.constant 0 : i32
    return %arg0, %c0_i32 : i32, i32
  }
  func.func @transform_1(%arg0: i32) -> (i32, i32) {
    %c0_i32 = arith.constant 0 : i32
    %c0_i32_0 = arith.constant 0 : i32
    return %arg0, %c0_i32 : i32, i32
  }
  func.func @transform_2(%arg0: i32) -> (i32, i32) {
    %c0_i32 = arith.constant 0 : i32
    %c0_i32_0 = arith.constant 0 : i32
    return %arg0, %c0_i32 : i32, i32
  }
}

module attributes {stable_mosaic.version = 14 : i64} {
  func.func @body(%arg0: i32, %arg1: memref<2x1000x128xf32, #tpu.memory_space<vmem>>, %arg2: memref<1000x2xf32, #tpu.memory_space<vmem>>, %arg3: memref<128x128xf32, #tpu.memory_space<vmem>>, %arg4: memref<1x128xf32, #tpu.memory_space<vmem>>, %arg5: memref<1000x128xf32, #tpu.memory_space<vmem>>) attributes {dimension_semantics = [#tpu.dimension_semantics<arbitrary>], iteration_bounds = array<i64: 10>, scalar_prefetch = 0 : i64, scratch_operands = 0 : i64, tpu.core_type = #tpu.core_type<tc>, window_params = [{transform_indices = @transform_0, window_bounds = array<i64: 2, 1000, 128>}, {transform_indices = @transform_1, window_bounds = array<i64: 1000, 2>}, {pipeline_mode = #tpu.pipeline_mode<synchronous>, transform_indices = @transform_2, window_bounds = array<i64: 128, 128>}, {pipeline_mode = #tpu.pipeline_mode<synchronous>, transform_indices = @transform_3, window_bounds = array<i64: 1, 128>}, {transform_indices = @transform_4, window_bounds = array<i64: 1000, 128>}]} {
    %get3A = arith.constant 0 : index
    %get3A_0 = arith.constant 0 : index
    %get3A_1 = arith.constant 0 : index
    %get3A_2 = vector.load %arg1[%get3A, %get3A_0, %get3A_1] : memref<2x1000x128xf32, #tpu.memory_space<vmem>>, vector<1x1000x128xf32>
    %get3A_3 = vector.shape_cast %get3A_2 : vector<1x1000x128xf32> to vector<1000x128xf32>
    %get3A_4 = arith.constant 1 : index
    %get3A_5 = arith.constant 0 : index
    %get3A_6 = arith.constant 0 : index
    %get3A_7 = vector.load %arg1[%get3A_4, %get3A_5, %get3A_6] : memref<2x1000x128xf32, #tpu.memory_space<vmem>>, vector<1x1000x128xf32>
    %get3A_8 = vector.shape_cast %get3A_7 : vector<1x1000x128xf32> to vector<1000x128xf32>
    %add3A = arith.addf %get3A_3, %get3A_8 : vector<1000x128xf32>
    %get3A_9 = arith.constant 0 : index
    %get3A_10 = arith.constant 0 : index
    %get3A_11 = vector.load %arg2[%get3A_9, %get3A_10] : memref<1000x2xf32, #tpu.memory_space<vmem>>, vector<1000x2xf32>
    %slice3A = vector.extract_strided_slice %get3A_11 {offsets = [0, 0], sizes = [1000, 1], strides = [1, 1]} : vector<1000x2xf32> to vector<1000x1xf32>
    %slice3A_12 = vector.extract_strided_slice %get3A_11 {offsets = [0, 1], sizes = [1000, 1], strides = [1, 1]} : vector<1000x2xf32> to vector<1000x1xf32>
    %add3A_13 = arith.addf %slice3A, %slice3A_12 : vector<1000x1xf32>
    %max3A = arith.constant 1.000000e+00 : f32
    %max3A_14 = vector.broadcast %max3A : f32 to vector<1000x1xf32>
    %max3A_15 = arith.maximumf %add3A_13, %max3A_14 : vector<1000x1xf32>
    %rsqrt3A = math.rsqrt %max3A_15 : vector<1000x1xf32>
    %mul3A = vector.broadcast %rsqrt3A : vector<1000x1xf32> to vector<1000x128xf32>
    %mul3A_16 = arith.mulf %add3A, %mul3A : vector<1000x128xf32>
    %get3A_17 = arith.constant 0 : index
    %get3A_18 = arith.constant 0 : index
    %get3A_19 = vector.load %arg3[%get3A_17, %get3A_18] : memref<128x128xf32, #tpu.memory_space<vmem>>, vector<128x128xf32>
    %dot_general3A = arith.constant dense<0.000000e+00> : vector<1000x128xf32>
    %dot_general3A_20 = tpu.matmul %mul3A_16, %get3A_19, %dot_general3A {dimension_numbers = #tpu.dot_dimension_numbers<[1], [1], [0], [0], [0, 0, 1, 0], [], []>, transpose_lhs_hint = false} : vector<1000x128xf32>, vector<128x128xf32>, vector<1000x128xf32> -> vector<1000x128xf32>
    %get3A_21 = arith.constant 0 : index
    %get3A_22 = arith.constant 0 : index
    %get3A_23 = vector.load %arg4[%get3A_21, %get3A_22] : memref<1x128xf32, #tpu.memory_space<vmem>>, vector<1x128xf32>
    %add3A_24 = vector.broadcast %get3A_23 : vector<1x128xf32> to vector<1000x128xf32>
    %add3A_25 = arith.addf %dot_general3A_20, %add3A_24 : vector<1000x128xf32>
    %swap3A = arith.constant 0 : index
    %swap3A_26 = arith.constant 0 : index
    %swap3A_27 = vector.load %arg5[%swap3A, %swap3A_26] : memref<1000x128xf32, #tpu.memory_space<vmem>>, vector<1000x128xf32>
    tpu.vector_store %arg5[%swap3A, %swap3A_26], %add3A_25 {strides = array<i32>} : memref<1000x128xf32, #tpu.memory_space<vmem>>, vector<1000x128xf32>,
    return
  }
  func.func @transform_0(%arg0: i32) -> (i32, i32, i32) {
    %c0_i32 = arith.constant 0 : i32
    %c0_i32_0 = arith.constant 0 : i32
    %c0_i32_1 = arith.constant 0 : i32
    return %c0_i32, %arg0, %c0_i32_0 : i32, i32, i32
  }
  func.func @transform_1(%arg0: i32) -> (i32, i32) {
    %c0_i32 = arith.constant 0 : i32
    %c0_i32_0 = arith.constant 0 : i32
    return %arg0, %c0_i32 : i32, i32
  }
  func.func @transform_2(%arg0: i32) -> (i32, i32) {
    %c0_i32 = arith.constant 0 : i32
    %c0_i32_0 = arith.constant 0 : i32
    %c0_i32_1 = arith.constant 0 : i32
    return %c0_i32, %c0_i32_0 : i32, i32
  }
  func.func @transform_3(%arg0: i32) -> (i32, i32) {
    %c0_i32 = arith.constant 0 : i32
    %c0_i32_0 = arith.constant 0 : i32
    %c0_i32_1 = arith.constant 0 : i32
    return %c0_i32, %c0_i32_0 : i32, i32
  }
  func.func @transform_4(%arg0: i32) -> (i32, i32) {
    %c0_i32 = arith.constant 0 : i32
    %c0_i32_0 = arith.constant 0 : i32
    return %arg0, %c0_i32 : i32, i32
  }
}

</mosaic_0001>

<sc_bundles>
// kernel: kernel.6.cloned.1.call-start
scs
__scs_entry_jumppad:
0x0: {  	(pc) =	sbr.rel $0x88, $3  }
0x1: {  	(tag) =	ssettag $0x0;
	lr =	simm.s32 $0x1  }
0x2: {  	[smem:$0x3F9D] =	sst lr;
	_ =	strace $0xD0000000  }
0x3: {  	_ = 	snop  }
0x4: {  	_ = 	snop  }
0x5: {  	_ = 	snop  }
0x6: {  	_ = 	snop  }
0x7: {  	_ = 	snop  }
__scs_overlays_trampoline_lowered:
0x8: {  	[smem:$0x3FAC] =	sst s0  }
0x9: {  	[smem:$0x3FAD] =	sst s1  }
0xa: {  	[smem:$0x3FAE] =	sst s2  }
0xb: {  	[smem:$0x3FAF] =	sst s3  }
0xc: {  	[smem:$0x3FB0] =	sst s4  }
0xd: {  	[smem:$0x3FB1] =	sst s5  }
0xe: {  	[smem:$0x3FB2] =	sst s6  }
0xf: {  	[smem:$0x3FB3] =	sst s7  }
0x10: {  	[smem:$0x3FB4] =	sst s8  }
0x11: {  	[smem:$0x3FB5] =	sst s9;
	s0 =	simm.s32 @!p0 $0x0  }
0x12: {  	s1 =	sld [smem:$0x3F9B];
	s0 =	simm.s32 @p0 $0x1  }
0x13: {  	[smem:$0x3FB6] =	sst s0;
	s0 =	simm.s32 @!p1 $0x0  }
0x14: {  	s2 =	sld [smem:$0x3F9A];
	s0 =	simm.s32 @p1 $0x1  }
0x15: {  	[smem:$0x3FB7] =	sst s0;
	s0 =	simm.s32 @!p2 $0x0  }
0x16: {  	s3 =	sld [smem:$0x3FDB];
	s0 =	simm.s32 @p2 $0x1  }
0x17: {  	s4 =	simm.s32 $0x1BF5;
	[smem:$0x3FB9] =	sst s0  }
0x18: {  	s0 =	sld [smem:$0x3F9C];
	_ =	swait.ge [sflag:s4], $0x0  }
0x19: {  	s7 =	sld [smem:$0x3F9D]  }
0x1a: {  	s8 =	sadd.s32 $0xFFFFE003, lr  }
0x1b: {  	s9 =	sadd.s32 $0xFFFFFEF7, lr;
	s5 =	simm.s32 $0xFFFFFFFF;
	p2 =	slt.u32 s8, $0xFFFFF086  }
0x1c: {  	p1 =	slt.u32 s9, $0xF7A;
	s5 =	simm.s32 @!p2 $0x0  }
0x1d: {  	s5 =	simm.s32 @p1 $0x1;
	p0 =	seq.s32 s7, s2  }
0x1e: {  	s7 =	smul.u32 @!p0 $0xF7A, s2;
	p2 =	seq.s32 @!p0 s5, $0x0  }
0x1f: {  	s9 =	smul.u32 $0xF7A, s1;
	s8 =	simm.s32 @!p0 $0x1BF5;
	p2 =	por !p2, p0  }
0x20: {  	[sflag:s8] =	ssyncset.s32 @!p0 $0xFFFFF086;
	s6 =	sadd.s32 @!p0 s3, s7;
	s7 =	simm.s32 @!p0 $0x108  }
0x21: {  	s3 =	sadd.s32 s3, s9;
	s6 =	sadd.s32 @!p0 $0x88, s6;
	s7 =	simm.s32 @p2 $0x1082  }
0x22: {  	[simem:s7], [sflag:s8] =	dma.local @!p0 [hbm:s6], $0xF7A  }
0x23: {  	s9 =	sor.u32 $0xD0000000, s2;
	s6 =	simm.s32 $0x108;
	_ =	swait.ge @!p0 [sflag:s8], $0x0  }
0x24: {  	s3 =	sadd.s32 $0x88, s3;
	s6 =	simm.s32 @!p1 $0x1082;
	[sflag:s4] =	ssyncset.s32 $0xFFFFF086  }
0x25: {  	[simem:s6], [sflag:s4] =	dma.local [hbm:s3], $0xF7A  }
0x26: {  	[smem:$0x3F9D] =	sst s1;
	(tag) =	ssettag s2;
	_ =	strace s9  }
0x27: {  	s1 =	sld [smem:$0x3FAD]  }
0x28: {  	s2 =	sld [smem:$0x3FAE]  }
0x29: {  	s4 =	sld [smem:$0x3FB0]  }
0x2a: {  	p0 =	seq.s32 s5, $0x0;
	s5 =	sld [smem:$0x3FB1]  }
0x2b: {  	s6 =	sld [smem:$0x3FB2]  }
0x2c: {  	s7 =	sld [smem:$0x3FB3]  }
0x2d: {  	s3 =	simm.s32 $0x108;
	s8 =	sld [smem:$0x3FB4]  }
0x2e: {  	s3 =	simm.s32 @!p0 $0x1082;
	s9 =	sld [smem:$0x3FB5]  }
0x2f: {  	lr =	sadd.s32 s0, s3;
	s0 =	sld [smem:$0x3FAC]  }
0x30: {  	s3 =	sld [smem:$0x3FAF]  }
0x31: {  	[smem:$0x3FB8] =	sst s10  }
0x32: {  	s10 =	sld [smem:$0x3FB6];
	_ =	sdelay $0x3  }
0x33: {  	p0 =	seq.s32 s10, $0x1;
	s10 =	sld [smem:$0x3FB8];
	_ =	sdelay $0x3  }
0x34: {  	[smem:$0x3FB8] =	sst s10  }
0x35: {  	s10 =	sld [smem:$0x3FB7];
	_ =	sdelay $0x3  }
0x36: {  	p1 =	seq.s32 s10, $0x1;
	s10 =	sld [smem:$0x3FB8];
	_ =	sdelay $0x3  }
0x37: {  	[smem:$0x3FB8] =	sst s10  }
0x38: {  	s10 =	sld [smem:$0x3FB9]  }
0x39: {  	_ = 	snop;
	(pc) =	sbr.ind lr, $3  }
0x3a: {  	_ = 	snop  }
0x3b: {  	_ = 	snop  }
0x3c: {  	p2 =	seq.s32 s10, $0x1;
	s10 =	sld [smem:$0x3FB8]  }
0x3d: {  	_ =	shalt  }
0x3e: {  	_ =	shalt  }
0x3f: {  	_ =	shalt  }
0x40: {  	_ =	shalt  }
0x41: {  	_ =	shalt  }
0x42: {  	_ =	shalt  }
0x43: {  	_ =	shalt  }
0x44: {  	_ =	shalt  }
0x45: {  	_ =	shalt  }
0x46: {  	_ =	shalt  }
0x47: {  	_ =	shalt  }
0x48: {  	_ =	shalt  }
0x49: {  	_ =	shalt  }
0x4a: {  	_ =	shalt  }
0x4b: {  	_ =	shalt  }
0x4c: {  	_ =	shalt  }
0x4d: {  	_ =	shalt  }
0x4e: {  	_ =	shalt  }
0x4f: {  	_ =	shalt  }
0x50: {  	_ =	shalt  }
0x51: {  	_ =	shalt  }
0x52: {  	_ =	shalt  }
0x53: {  	_ =	shalt  }
0x54: {  	_ =	shalt  }
0x55: {  	_ =	shalt  }
0x56: {  	_ =	shalt  }
0x57: {  	_ =	shalt  }
0x58: {  	_ =	shalt  }
0x59: {  	_ =	shalt  }
0x5a: {  	_ =	shalt  }
0x5b: {  	_ =	shalt  }
0x5c: {  	_ =	shalt  }
0x5d: {  	_ =	shalt  }
0x5e: {  	_ =	shalt  }
0x5f: {  	_ =	shalt  }
0x60: {  	_ =	shalt  }
0x61: {  	_ =	shalt  }
0x62: {  	_ =	shalt  }
0x63: {  	_ =	shalt  }
0x64: {  	_ =	shalt  }
0x65: {  	_ =	shalt  }
0x66: {  	_ =	shalt  }
0x67: {  	_ =	shalt  }
0x68: {  	_ =	shalt  }
0x69: {  	_ =	shalt  }
0x6a: {  	_ =	shalt  }
0x6b: {  	_ =	shalt  }
0x6c: {  	_ =	shalt  }
0x6d: {  	_ =	shalt  }
0x6e: {  	_ =	shalt  }
0x6f: {  	_ =	shalt  }
0x70: {  	_ =	shalt  }
0x71: {  	_ =	shalt  }
0x72: {  	_ =	shalt  }
0x73: {  	_ =	shalt  }
0x74: {  	_ =	shalt  }
0x75: {  	_ =	shalt  }
0x76: {  	_ =	shalt  }
0x77: {  	_ =	shalt  }
0x78: {  	_ =	shalt  }
0x79: {  	_ =	shalt  }
0x7a: {  	_ =	shalt  }
0x7b: {  	_ =	shalt  }
0x7c: {  	_ =	shalt  }
0x7d: {  	_ =	shalt  }
0x7e: {  	_ =	shalt  }
0x7f: {  	_ =	shalt  }
0x80: {  	_ =	shalt  }
0x81: {  	_ =	shalt  }
0x82: {  	_ =	shalt  }
0x83: {  	_ =	shalt  }
0x84: {  	_ =	shalt  }
0x85: {  	_ =	shalt  }
0x86: {  	_ =	shalt  }
0x87: {  	_ =	shalt  }
.Lfunc_end0:
.L_simem_size_0:
called_computation_lowered:
.L_overlay_start_0:
0x88: {  	s2 =	sld [smem:$0x3FD9]  }
0x89: {  	s3 =	sld [smem:$0x3FFE];
	_ =	sdelay $0x1  }
0x8a: {  	s1 =	srdreg.scid  }
0x8b: {  	s0 =	sand.u32 $0x1, s1  }
0x8c: {  	s17 =	sshll.u32 s0, $0xA;
	s2 =	sadd.s32 s3, s2  }
0x8d: {  	s2 =	sadd.s32 s2, s17  }
0x8e: {  	[smem:$0x3FC4] =	sst s2  }
0x8f: {  	_ = 	snop  }
0x90: {  	s2 =	sld [smem:$0x3FD0];
	(tm) =	ssettm $0x1  }
0x91: {  	s18 =	sld [smem:$0x3FFB];
	_ =	sdelay $0x3  }
0x92: {  	_ =	strace s18  }
0x93: {  	s3 =	sld [smem:$0x3FFC];
	_ =	sdelay $0x3  }
0x94: {  	_ =	strace s3  }
0x95: {  	s3 =	sld [smem:$0x3FFD];
	_ =	sdelay $0x3  }
0x96: {  	_ =	strace s3  }
0x97: {  	_ =	strace $0x8FFFFFFF  }
0x98: {  	s19 =	sld [smem:$0x3FDB];
	_ =	sdelay $0x1  }
0x99: {  	s4 =	simm.s32 $_scs_section_size  }
0x9a: {  	s5 =	simm.s32 $_size__tile_overlayer_lowered;
	s6 =	simm.s32 $_tile_overlayer_lowered  }
0x9b: {  	s22 =	simm.s32 $0x1BFF;
	s21 =	sshll.u32 s6, $0x1;
	s3 =	sadd.s32 s4, s19  }
0x9c: {  	s7 =	simm.s32 $0x0;
	s20 =	sshll.u32 s5, $0x1;
	s5 =	sadd.s32 s21, s3  }
0x9d: {  	[timem:s7], [sflag:s22] =	dma.local [hbm:s5], s20  }
0x9e: {  	_ =	swait.ge [sflag:s22], s20  }
0x9f: {  	s4 =	ssub.s32 $0x0, s20;
	[sflag:s22] =	ssyncset.done $0x0  }
0xa0: {  	[sflag:s22] =	ssyncadd.s32 s4;
	_ =	sdelay $0x1  }
0xa1: {  	s23 =	simm.s32 $0x1B8B  }
0xa2: {  	_ =	swait.ge [sflag:s23], $0x1  }
0xa3: {  	[sflag:s23] =	ssyncset.done $0x0  }
0xa4: {  	s25 =	simm.s32 $0x1B8E;
	s24 =	sld [smem:$0x3FFE];
	[sflag:s23] =	ssyncadd.s32 $0xFFFFFFFF  }
0xa5: {  	s26 =	simm.s32 $execute0_lowered;
	[smem:$0x3FD2] =	sst s25  }
0xa6: {  	s5 =	sshll.u32 s26, $0x1;
	_ =	strace $0x80000046;
	[dreg:$0x1] =	wrdreg $0xFFFFFFFF  }
0xa7: {  	s28 =	simm.s32 $_size_execute0_lowered;
	s3 =	sadd.s32 s3, s5;
	[dreg:$0x0] =	wrdreg $0x0  }
0xa8: {  	s5 =	sshll.u32 s28, $0x1;
	[dreg:$0x2] =	wrdreg s3  }
0xa9: {  	[dreg:$0x3] =	wrdreg s5  }
0xaa: {  	[dreg:$0x4] =	wrdreg $0xC0  }
0xab: {  	_ =	task [dreg:s7], $0x5FFFF  }
0xac: {  	[dreg:$0x1] =	wrdreg $0xFFFFFFFF  }
0xad: {  	[dreg:$0x0] =	wrdreg $0x60  }
0xae: {  	[dreg:$0x2] =	wrdreg s2  }
0xaf: {  	[dreg:$0x3] =	wrdreg s24  }
0xb0: {  	[dreg:$0x4] =	wrdreg $0x2F800  }
0xb1: {  	[dreg:$0x5] =	wrdreg $0x9  }
0xb2: {  	_ =	task.clear_ibuf [dreg:s7], $0x6FFFF;
	_ =	strace $0x90000046  }
0xb3: {  	s29 =	simm.s32 $0x9;
	_ =	strace $0x80000048  }
0xb4: {  	_ =	swait.ge [sflag:s29], $0x1  }
0xb5: {  	[sflag:s29] =	ssyncadd.s32 $0xFFFFFFFF  }
0xb6: {  	_ =	strace $0x90000048  }
0xb7: {  	_ =	sfence  }
0xb8: {  	s30 =	sld [smem:$0x0];
	_ =	sdelay $0x2  }
0xb9: {  	s31 =	sshll.u32 s1, $0xD;
	s1 =	sshrl.u32 s1, $0x2  }
0xba: {  	s3 =	sand.u32 $0x4000, s31;
	s1 =	sadd.s32 s1, s30  }
0xbb: {  	s0 =	sor.u32 s3, s0;
	s1 =	sshll.u32 s1, $0x11  }
0xbc: {  	s0 =	sor.u32 s1, s0  }
0xbd: {  	s0 =	sadd.s32 $0x8F2B, s0  }
0xbe: {  	[sflag:s0] =	ssyncadd.remote.s32 $0x1  }
0xbf: {  	_ =	sfence.sel $0xFFFF  }
0xc0: {  	[dreg:$0x0] =	wrdreg $0xFFFFFFFF;
	(pc) =	sbr.abs _section_cstart, $3  }
0xc1: {  	[dreg:$0x1] =	wrdreg $0xFFFFFFFF  }
0xc2: {  	_ =	task.clear_ibuf [dreg:s7], $0x2FFFF;
	_ =	strace $0x9FFFFFFF  }
0xc3: {  	(tm) =	ssettm $0x7FFFFFFF  }
tec
execute0_lowered:
.L_overlay_start_1:
0x0: {  	(tag) =	ssettag $0x1  }
0x1: {  	s5 =	rddreg [dreg:$0x0]  }
0x2: {  	s4 =	rddreg [dreg:$0x1]  }
0x3: {  	s2 =	rddreg [dreg:$0x2]  }
0x4: {  	s0 =	rddreg [dreg:$0x3];
	s3 =	simm.s32 $0x0;
	s6 =	srdreg.scid  }
0x5: {  	s1 =	stileid.u32;
	s11 =	simm.s32 $0x1;
	s12 =	simm.s32 $0x80  }
0x6: {  	s13 =	simm.s32 $0x2C00;
	s16 =	simm.s32 $0x20;
	s17 =	simm.s32 $0x10  }
0x7: {  	s18 =	simm.s32 $0x0;
	[smem:$0x7FF] =	sst s3;
	s7 =	smul.u32 $0x500, s1  }
0x8: {  	s6 =	sand.u32 $0x1, s6;
	s30 =	sshll.u32 s1, $0x1;
	s9 =	smul.u32 $0xA00, s1  }
0x9: {  	s14 =	sshll.u32 s1, $0x6;
	_ =	strace $0x80000047;
	s8 =	sshll.u32 s6, $0x7  }
0xa: {  	s10 =	ssub.s32 $0x2, s6;
	s6 =	sor.u32 s6, s30;
	s14 =	sor.u32 $0x1C02, s14  }
0xb: {  	s7 =	sor.u32 s8, s7;
	s31 =	sshrl.u32 s10, $0x1;
	s9 =	sshrl.u32 s9, $0x2  }
0xc: {  	s6 =	smul.u32 $0x580, s6;
	s7 =	sshrl.u32 s7, $0x3;
	s8 =	ssub.s32 s10, s31  }
0xd: {  	s10 =	simm.s32 $0x2C80;
	s7 =	sadd.s32 s7, s4;
	s4 =	sadd.s32 s9, s2  }
0xe: {  	s5 =	sadd.s32 s5, s6;
	s9 =	simm.s32 $0x2;
	s6 =	sadd.s32 $0x15400, s7  }
0xf: {  	v0 =	vimm.f32 $1.000000000e+00;
	v1 =	vimm.f32 $0.0e+00;
	s7 =	smax.u32 s8, $0x1;
	s8 =	simm.s32 $0x2D00;
	s15 =	sshrl.u32 s4, $0x3  }
.LBB2_1:
0x10: {  	[tilespmem:$0x2C00] =	vst v0  }
0x11: {  	[tilespmem:$0x2C10] =	vst v0  }
0x12: {  	[tilespmem:$0x2C20] =	vst v0  }
0x13: {  	[tilespmem:$0x2C30] =	vst v0  }
0x14: {  	[tilespmem:$0x2C40] =	vst v0  }
0x15: {  	[tilespmem:$0x2C50] =	vst v0  }
0x16: {  	[tilespmem:$0x2C60] =	vst v0  }
0x17: {  	[tilespmem:$0x2C70] =	vst v0  }
0x18: {  	[tilespmem:$0x2D00] =	vst v1  }
0x19: {  	[tilespmem:$0x2D10] =	vst v1  }
0x1a: {  	[tilespmem:$0x2D20] =	vst v1  }
0x1b: {  	[tilespmem:$0x2D30] =	vst v1  }
0x1c: {  	[tilespmem:$0x2D40] =	vst v1  }
0x1d: {  	[tilespmem:$0x2D50] =	vst v1  }
0x1e: {  	[tilespmem:$0x2D60] =	vst v1  }
0x1f: {  	[tilespmem:$0x2D70] =	vst v1  }
0x20: {  	[tilespmem:$0x2D80] =	vst v1  }
0x21: {  	[tilespmem:$0x2D90] =	vst v1  }
0x22: {  	[tilespmem:$0x2DA0] =	vst v1  }
0x23: {  	[tilespmem:$0x2DB0] =	vst v1  }
0x24: {  	[tilespmem:$0x2DC0] =	vst v1  }
0x25: {  	[tilespmem:$0x2DD0] =	vst v1  }
0x26: {  	[tilespmem:$0x2DE0] =	vst v1  }
0x27: {  	[tilespmem:$0x2DF0] =	vst v1  }
0x28: {  	[tilespmem:$0x2E00] =	vst v1  }
0x29: {  	[tilespmem:$0x2E10] =	vst v1  }
0x2a: {  	[tilespmem:$0x2E20] =	vst v1  }
0x2b: {  	[tilespmem:$0x2E30] =	vst v1  }
0x2c: {  	[tilespmem:$0x2E40] =	vst v1  }
0x2d: {  	[tilespmem:$0x2E50] =	vst v1  }
0x2e: {  	[tilespmem:$0x2E60] =	vst v1  }
0x2f: {  	[tilespmem:$0x2E70] =	vst v1  }
0x30: {  	[tilespmem:$0x2E80] =	vst v1  }
0x31: {  	[tilespmem:$0x2E90] =	vst v1  }
0x32: {  	[tilespmem:$0x2EA0] =	vst v1  }
0x33: {  	[tilespmem:$0x2EB0] =	vst v1  }
0x34: {  	[tilespmem:$0x2EC0] =	vst v1  }
0x35: {  	[tilespmem:$0x2ED0] =	vst v1  }
0x36: {  	[tilespmem:$0x2EE0] =	vst v1  }
0x37: {  	[tilespmem:$0x2EF0] =	vst v1  }
0x38: {  	[tilespmem:$0x2F00] =	vst v1  }
0x39: {  	[tilespmem:$0x2F10] =	vst v1  }
0x3a: {  	[tilespmem:$0x2F20] =	vst v1  }
0x3b: {  	[tilespmem:$0x2F30] =	vst v1  }
0x3c: {  	[tilespmem:$0x2F40] =	vst v1  }
0x3d: {  	[tilespmem:$0x2F50] =	vst v1  }
0x3e: {  	[tilespmem:$0x2F60] =	vst v1  }
0x3f: {  	[tilespmem:$0x2F70] =	vst v1  }
0x40: {  	[spmem:s4] =	stream.linear.scatter [tilespmem:s8], [sflag:$0x2], $0x280, $0x38;
	[tilespmem:$0x3200] =	vst v63  }
0x41: {  	_ =	swait.ge [sflag:s9], $0x280  }
0x42: {  	[sflag:s9] =	ssyncset.done $0x0  }
0x43: {  	[sflag:s9] =	ssyncadd.s32 $0xFFFFFD80  }
0x44: {  	[tilespmem:s3], [sflag:$0x2] =	stream.linear.gather [hbm4b:s5+s3], $0x2C00, $0x38;
	[tilespmem:$0x3200] =	vst v63  }
0x45: {  	_ =	swait.ge [sflag:s9], $0x2C00  }
0x46: {  	[sflag:s9] =	ssyncset.done $0x0  }
0x47: {  	[sflag:s9] =	ssyncadd.s32 $0xFFFFD400  }
0x48: {  	[bflag:$0x0] =	sbarrier.arrive $0xFFFF  }
0x49: {  	[tilespmem:s10], [sflag:$0x1] =	stream.linear.gather [hbm4b:s5+s3], $0x80, $0x38;
	[tilespmem:$0x3200] =	vst v63  }
0x4a: {  	_ = 	snop  }
0x4b: {  	[tilespmem:s10], [sflag:$0x1] =	stream.linear.gather [hbm4b:s5+s3], $0x80, $0x38;
	[tilespmem:$0x3200] =	vst v63  }
0x4c: {  	_ = 	snop  }
0x4d: {  	[tilespmem:s10], [sflag:$0x1] =	stream.linear.gather [hbm4b:s5+s3], $0x80, $0x38;
	[tilespmem:$0x3200] =	vst v63  }
0x4e: {  	_ = 	snop  }
0x4f: {  	[tilespmem:s10], [sflag:$0x1] =	stream.linear.gather [hbm4b:s5+s3], $0x80, $0x38;
	[tilespmem:$0x3200] =	vst v63  }
0x50: {  	_ = 	snop  }
0x51: {  	[tilespmem:s10], [sflag:$0x1] =	stream.linear.gather [hbm4b:s5+s3], $0x80, $0x38;
	[tilespmem:$0x3200] =	vst v63  }
0x52: {  	_ = 	snop  }
0x53: {  	[tilespmem:s10], [sflag:$0x1] =	stream.linear.gather [hbm4b:s5+s3], $0x80, $0x38;
	[tilespmem:$0x3200] =	vst v63  }
0x54: {  	_ = 	snop  }
0x55: {  	[tilespmem:s10], [sflag:$0x1] =	stream.linear.gather [hbm4b:s5+s3], $0x80, $0x38;
	[tilespmem:$0x3200] =	vst v63  }
0x56: {  	_ = 	snop  }
0x57: {  	[tilespmem:s10], [sflag:$0x1] =	stream.linear.gather [hbm4b:s5+s3], $0x80, $0x38;
	[tilespmem:$0x3200] =	vst v63  }
0x58: {  	_ =	swait.ge [sflag:s11], $0x80  }
0x59: {  	[sflag:s11] =	ssyncset.done $0x0  }
0x5a: {  	s19 =	simm.s32 $0x200;
	s20 =	simm.s32 $0x0;
	[sflag:s11] =	ssyncadd.s32 $0xFFFFFF80  }
.LBB2_2:
0x5b: {  	[spmem:s2] =	stream.indirect.scatter.add.f32 [tilespmem:s13], [sflag:$0x1], $0x1, s20, s12, $0xb8;
	[tilespmem:$0x3200] =	vst v63  }
0x5c: {  	s20 =	smov.u32 s19;
	p0 =	sne.s32 s19, $0xAE00  }
.Ltmp0:
0x5d: {  	s19 =	sadd.s32 $0x200, s19;
	(pc) =	sbr.rel @p0 .LBB2_2-.Ltmp0, $4  }
0x5e: {  	_ = 	snop  }
0x5f: {  	_ =	swait.ge [sflag:s11], $0x80  }
0x60: {  	[sflag:s11] =	ssyncset.done $0x0  }
0x61: {  	s20 =	sshra.s32 s20, $0x2;
	[sflag:s11] =	ssyncadd.s32 $0xFFFFFF80  }
0x62: {  	[spmem:s2] =	stream.indirect.scatter.add.f32 [tilespmem:s13], [sflag:$0x1], $0x1, s20, s12, $0xb8;
	[tilespmem:$0x3200] =	vst v63  }
0x63: {  	_ =	swait.ge [sflag:s11], $0x80  }
0x64: {  	[sflag:s11] =	ssyncset.done $0x0  }
0x65: {  	[sflag:s11] =	ssyncadd.s32 $0xFFFFFF80  }
0x66: {  	_ =	swait.ge [sflag:s11], $0x80  }
0x67: {  	[sflag:s11] =	ssyncset.done $0x0  }
0x68: {  	[sflag:s11] =	ssyncadd.s32 $0xFFFFFF80  }
0x69: {  	_ =	swait.ge [sflag:s11], $0x80  }
0x6a: {  	[sflag:s11] =	ssyncset.done $0x0  }
0x6b: {  	[sflag:s11] =	ssyncadd.s32 $0xFFFFFF80  }
0x6c: {  	_ =	swait.ge [sflag:s11], $0x80  }
0x6d: {  	[sflag:s11] =	ssyncset.done $0x0  }
0x6e: {  	[sflag:s11] =	ssyncadd.s32 $0xFFFFFF80  }
0x6f: {  	_ =	swait.ge [sflag:s11], $0x80  }
0x70: {  	[sflag:s11] =	ssyncset.done $0x0  }
0x71: {  	[sflag:s11] =	ssyncadd.s32 $0xFFFFFF80  }
0x72: {  	_ =	swait.ge [sflag:s11], $0x80  }
0x73: {  	[sflag:s11] =	ssyncset.done $0x0  }
0x74: {  	[sflag:s11] =	ssyncadd.s32 $0xFFFFFF80  }
0x75: {  	_ =	swait.ge [sflag:s11], $0x80  }
0x76: {  	[sflag:s11] =	ssyncset.done $0x0  }
0x77: {  	[sflag:s11] =	ssyncadd.s32 $0xFFFFFF80  }
0x78: {  	_ =	swait.ge [sflag:s11], $0x80  }
0x79: {  	s18 =	sadd.s32 $0x1, s18;
	[sflag:s11] =	ssyncset.done $0x0  }
0x7a: {  	p0 =	sne.s32 s18, s7;
	[sflag:s11] =	ssyncadd.s32 $0xFFFFFF80  }
.Ltmp1:
0x7b: {  	[bflag:$0x0] =	sbarrier.arrive $0xFFFF;
	(pc) =	sbr.rel @p0 .LBB2_1-.Ltmp1, $4  }
0x7c: {  	[hbm:s6@s16], [sflag:s14] =	dma.strided [spmem:s15@s17], $0x50, s11, $0x10   }
0x7d: {  	_ =	swait.ge [sflag:s9], $0x50  }
0x7e: {  	[sflag:s9] =	ssyncset.done $0x0  }
0x7f: {  	[sflag:s9] =	ssyncadd.s32 $0xFFFFFFB0  }
0x80: {  	_ =	sfence.sel $0x180000  }
0x81: {  	[bflag:$0x0] =	sbarrier.arrive $0xFFFF  }
0x82: {  	p0 =	sne.s32 s1, $0x0;
	_ =	strace $0x90000047  }
0x83: {  	s0 =	sadd.s32 @!p0 $0x100000, s0;
	[bflag:$0x2] =	sbarrier.arrive $0xFFFF  }
0x84: {  	[sflag:s0] =	ssyncadd.tile.s32 @!p0 $0x1;
	_ =	shalt  }
.Lfunc_end2:
_tile_overlayer_lowered:
.L_overlay_start_2:
0x85: {  	(tag) =	ssettag $0x2  }
0x86: {  	s0 =	rddreg [dreg:$0x0];
	s2 =	stileid.u32  }
0x87: {  	s1 =	rddreg [dreg:$0x1];
	p0 =	sne.s32 s2, $0x0  }
0x88: {  	s3 =	rddreg [dreg:$0x2];
	[bflag:$0x3] =	sbarrier.arrive $0xFFFF;
	s2 =	simm.s32 @!p0 $0x1C02  }
0x89: {  	[timem:s3], [sflag:s2] =	dma.local @!p0 [hbm:s0], s1  }
0x8a: {  	s0 =	simm.s32 @!p0 $0x2  }
0x8b: {  	_ =	swait.ge @!p0 [sflag:s0], s1  }
0x8c: {  	s1 =	ssub.s32 @!p0 $0x0, s1;
	[sflag:s0] =	ssyncset.done @!p0 $0x0  }
0x8d: {  	[sflag:s0] =	ssyncadd.s32 @!p0 s1  }
0x8e: {  	[bflag:$0x3] =	sbarrier.arrive $0xFFFF  }
0x8f: {  	_ =	shalt  }

// kernel: kernel.9.cloned.1.call-start
scs
__scs_entry_jumppad:
0x0: {  	(pc) =	sbr.rel $0x88, $3  }
0x1: {  	(tag) =	ssettag $0x0;
	lr =	simm.s32 $0x1  }
0x2: {  	[smem:$0x3F9D] =	sst lr;
	_ =	strace $0xD0000000  }
0x3: {  	_ = 	snop  }
0x4: {  	_ = 	snop  }
0x5: {  	_ = 	snop  }
0x6: {  	_ = 	snop  }
0x7: {  	_ = 	snop  }
__scs_overlays_trampoline_lowered:
0x8: {  	[smem:$0x3FAC] =	sst s0  }
0x9: {  	[smem:$0x3FAD] =	sst s1  }
0xa: {  	[smem:$0x3FAE] =	sst s2  }
0xb: {  	[smem:$0x3FAF] =	sst s3  }
0xc: {  	[smem:$0x3FB0] =	sst s4  }
0xd: {  	[smem:$0x3FB1] =	sst s5  }
0xe: {  	[smem:$0x3FB2] =	sst s6  }
0xf: {  	[smem:$0x3FB3] =	sst s7  }
0x10: {  	[smem:$0x3FB4] =	sst s8  }
0x11: {  	[smem:$0x3FB5] =	sst s9;
	s0 =	simm.s32 @!p0 $0x0  }
0x12: {  	s1 =	sld [smem:$0x3F9B];
	s0 =	simm.s32 @p0 $0x1  }
0x13: {  	[smem:$0x3FB6] =	sst s0;
	s0 =	simm.s32 @!p1 $0x0  }
0x14: {  	s2 =	sld [smem:$0x3F9A];
	s0 =	simm.s32 @p1 $0x1  }
0x15: {  	[smem:$0x3FB7] =	sst s0;
	s0 =	simm.s32 @!p2 $0x0  }
0x16: {  	s3 =	sld [smem:$0x3FDB];
	s0 =	simm.s32 @p2 $0x1  }
0x17: {  	s4 =	simm.s32 $0x1BF5;
	[smem:$0x3FB9] =	sst s0  }
0x18: {  	s0 =	sld [smem:$0x3F9C];
	_ =	swait.ge [sflag:s4], $0x0  }
0x19: {  	s7 =	sld [smem:$0x3F9D]  }
0x1a: {  	s8 =	sadd.s32 $0xFFFFE003, lr  }
0x1b: {  	s9 =	sadd.s32 $0xFFFFFEF7, lr;
	s5 =	simm.s32 $0xFFFFFFFF;
	p2 =	slt.u32 s8, $0xFFFFF086  }
0x1c: {  	p1 =	slt.u32 s9, $0xF7A;
	s5 =	simm.s32 @!p2 $0x0  }
0x1d: {  	s5 =	simm.s32 @p1 $0x1;
	p0 =	seq.s32 s7, s2  }
0x1e: {  	s7 =	smul.u32 @!p0 $0xF7A, s2;
	p2 =	seq.s32 @!p0 s5, $0x0  }
0x1f: {  	s9 =	smul.u32 $0xF7A, s1;
	s8 =	simm.s32 @!p0 $0x1BF5;
	p2 =	por !p2, p0  }
0x20: {  	[sflag:s8] =	ssyncset.s32 @!p0 $0xFFFFF086;
	s6 =	sadd.s32 @!p0 s3, s7;
	s7 =	simm.s32 @!p0 $0x108  }
0x21: {  	s3 =	sadd.s32 s3, s9;
	s6 =	sadd.s32 @!p0 $0x88, s6;
	s7 =	simm.s32 @p2 $0x1082  }
0x22: {  	[simem:s7], [sflag:s8] =	dma.local @!p0 [hbm:s6], $0xF7A  }
0x23: {  	s9 =	sor.u32 $0xD0000000, s2;
	s6 =	simm.s32 $0x108;
	_ =	swait.ge @!p0 [sflag:s8], $0x0  }
0x24: {  	s3 =	sadd.s32 $0x88, s3;
	s6 =	simm.s32 @!p1 $0x1082;
	[sflag:s4] =	ssyncset.s32 $0xFFFFF086  }
0x25: {  	[simem:s6], [sflag:s4] =	dma.local [hbm:s3], $0xF7A  }
0x26: {  	[smem:$0x3F9D] =	sst s1;
	(tag) =	ssettag s2;
	_ =	strace s9  }
0x27: {  	s1 =	sld [smem:$0x3FAD]  }
0x28: {  	s2 =	sld [smem:$0x3FAE]  }
0x29: {  	s4 =	sld [smem:$0x3FB0]  }
0x2a: {  	p0 =	seq.s32 s5, $0x0;
	s5 =	sld [smem:$0x3FB1]  }
0x2b: {  	s6 =	sld [smem:$0x3FB2]  }
0x2c: {  	s7 =	sld [smem:$0x3FB3]  }
0x2d: {  	s3 =	simm.s32 $0x108;
	s8 =	sld [smem:$0x3FB4]  }
0x2e: {  	s3 =	simm.s32 @!p0 $0x1082;
	s9 =	sld [smem:$0x3FB5]  }
0x2f: {  	lr =	sadd.s32 s0, s3;
	s0 =	sld [smem:$0x3FAC]  }
0x30: {  	s3 =	sld [smem:$0x3FAF]  }
0x31: {  	[smem:$0x3FB8] =	sst s10  }
0x32: {  	s10 =	sld [smem:$0x3FB6];
	_ =	sdelay $0x3  }
0x33: {  	p0 =	seq.s32 s10, $0x1;
	s10 =	sld [smem:$0x3FB8];
	_ =	sdelay $0x3  }
0x34: {  	[smem:$0x3FB8] =	sst s10  }
0x35: {  	s10 =	sld [smem:$0x3FB7];
	_ =	sdelay $0x3  }
0x36: {  	p1 =	seq.s32 s10, $0x1;
	s10 =	sld [smem:$0x3FB8];
	_ =	sdelay $0x3  }
0x37: {  	[smem:$0x3FB8] =	sst s10  }
0x38: {  	s10 =	sld [smem:$0x3FB9]  }
0x39: {  	_ = 	snop;
	(pc) =	sbr.ind lr, $3  }
0x3a: {  	_ = 	snop  }
0x3b: {  	_ = 	snop  }
0x3c: {  	p2 =	seq.s32 s10, $0x1;
	s10 =	sld [smem:$0x3FB8]  }
0x3d: {  	_ =	shalt  }
0x3e: {  	_ =	shalt  }
0x3f: {  	_ =	shalt  }
0x40: {  	_ =	shalt  }
0x41: {  	_ =	shalt  }
0x42: {  	_ =	shalt  }
0x43: {  	_ =	shalt  }
0x44: {  	_ =	shalt  }
0x45: {  	_ =	shalt  }
0x46: {  	_ =	shalt  }
0x47: {  	_ =	shalt  }
0x48: {  	_ =	shalt  }
0x49: {  	_ =	shalt  }
0x4a: {  	_ =	shalt  }
0x4b: {  	_ =	shalt  }
0x4c: {  	_ =	shalt  }
0x4d: {  	_ =	shalt  }
0x4e: {  	_ =	shalt  }
0x4f: {  	_ =	shalt  }
0x50: {  	_ =	shalt  }
0x51: {  	_ =	shalt  }
0x52: {  	_ =	shalt  }
0x53: {  	_ =	shalt  }
0x54: {  	_ =	shalt  }
0x55: {  	_ =	shalt  }
0x56: {  	_ =	shalt  }
0x57: {  	_ =	shalt  }
0x58: {  	_ =	shalt  }
0x59: {  	_ =	shalt  }
0x5a: {  	_ =	shalt  }
0x5b: {  	_ =	shalt  }
0x5c: {  	_ =	shalt  }
0x5d: {  	_ =	shalt  }
0x5e: {  	_ =	shalt  }
0x5f: {  	_ =	shalt  }
0x60: {  	_ =	shalt  }
0x61: {  	_ =	shalt  }
0x62: {  	_ =	shalt  }
0x63: {  	_ =	shalt  }
0x64: {  	_ =	shalt  }
0x65: {  	_ =	shalt  }
0x66: {  	_ =	shalt  }
0x67: {  	_ =	shalt  }
0x68: {  	_ =	shalt  }
0x69: {  	_ =	shalt  }
0x6a: {  	_ =	shalt  }
0x6b: {  	_ =	shalt  }
0x6c: {  	_ =	shalt  }
0x6d: {  	_ =	shalt  }
0x6e: {  	_ =	shalt  }
0x6f: {  	_ =	shalt  }
0x70: {  	_ =	shalt  }
0x71: {  	_ =	shalt  }
0x72: {  	_ =	shalt  }
0x73: {  	_ =	shalt  }
0x74: {  	_ =	shalt  }
0x75: {  	_ =	shalt  }
0x76: {  	_ =	shalt  }
0x77: {  	_ =	shalt  }
0x78: {  	_ =	shalt  }
0x79: {  	_ =	shalt  }
0x7a: {  	_ =	shalt  }
0x7b: {  	_ =	shalt  }
0x7c: {  	_ =	shalt  }
0x7d: {  	_ =	shalt  }
0x7e: {  	_ =	shalt  }
0x7f: {  	_ =	shalt  }
0x80: {  	_ =	shalt  }
0x81: {  	_ =	shalt  }
0x82: {  	_ =	shalt  }
0x83: {  	_ =	shalt  }
0x84: {  	_ =	shalt  }
0x85: {  	_ =	shalt  }
0x86: {  	_ =	shalt  }
0x87: {  	_ =	shalt  }
.Lfunc_end0:
.L_simem_size_0:
called_computation.1_lowered:
.L_overlay_start_0:
0x88: {  	s2 =	sld [smem:$0x3FD9]  }
0x89: {  	s3 =	sld [smem:$0x3FFE];
	_ =	sdelay $0x1  }
0x8a: {  	s1 =	srdreg.scid  }
0x8b: {  	s0 =	sand.u32 $0x1, s1  }
0x8c: {  	s17 =	sshll.u32 s0, $0xA;
	s2 =	sadd.s32 s3, s2  }
0x8d: {  	s2 =	sadd.s32 s2, s17  }
0x8e: {  	[smem:$0x3FC4] =	sst s2  }
0x8f: {  	_ = 	snop  }
0x90: {  	s2 =	sld [smem:$0x3FD0];
	(tm) =	ssettm $0x1  }
0x91: {  	s18 =	sld [smem:$0x3FFB];
	_ =	sdelay $0x3  }
0x92: {  	_ =	strace s18  }
0x93: {  	s3 =	sld [smem:$0x3FFC];
	_ =	sdelay $0x3  }
0x94: {  	_ =	strace s3  }
0x95: {  	s3 =	sld [smem:$0x3FFD];
	_ =	sdelay $0x3  }
0x96: {  	_ =	strace s3  }
0x97: {  	_ =	strace $0x8FFFFFFF  }
0x98: {  	s19 =	sld [smem:$0x3FDB];
	_ =	sdelay $0x1  }
0x99: {  	s4 =	simm.s32 $_scs_section_size  }
0x9a: {  	s5 =	simm.s32 $_size__tile_overlayer_lowered;
	s6 =	simm.s32 $_tile_overlayer_lowered  }
0x9b: {  	s22 =	simm.s32 $0x1BFF;
	s21 =	sshll.u32 s6, $0x1;
	s3 =	sadd.s32 s4, s19  }
0x9c: {  	s7 =	simm.s32 $0x0;
	s20 =	sshll.u32 s5, $0x1;
	s5 =	sadd.s32 s21, s3  }
0x9d: {  	[timem:s7], [sflag:s22] =	dma.local [hbm:s5], s20  }
0x9e: {  	_ =	swait.ge [sflag:s22], s20  }
0x9f: {  	s4 =	ssub.s32 $0x0, s20;
	[sflag:s22] =	ssyncset.done $0x0  }
0xa0: {  	[sflag:s22] =	ssyncadd.s32 s4;
	_ =	sdelay $0x1  }
0xa1: {  	s23 =	simm.s32 $0x1B8B  }
0xa2: {  	_ =	swait.ge [sflag:s23], $0x1  }
0xa3: {  	[sflag:s23] =	ssyncset.done $0x0  }
0xa4: {  	s25 =	simm.s32 $0x1B8E;
	s24 =	sld [smem:$0x3FFE];
	[sflag:s23] =	ssyncadd.s32 $0xFFFFFFFF  }
0xa5: {  	s26 =	simm.s32 $execute0_lowered;
	[smem:$0x3FD2] =	sst s25  }
0xa6: {  	s5 =	sshll.u32 s26, $0x1;
	_ =	strace $0x80000049;
	[dreg:$0x1] =	wrdreg $0xFFFFFFFF  }
0xa7: {  	s28 =	simm.s32 $_size_execute0_lowered;
	s3 =	sadd.s32 s3, s5;
	[dreg:$0x0] =	wrdreg $0x0  }
0xa8: {  	s5 =	sshll.u32 s28, $0x1;
	[dreg:$0x2] =	wrdreg s3  }
0xa9: {  	[dreg:$0x3] =	wrdreg s5  }
0xaa: {  	[dreg:$0x4] =	wrdreg $0xC0  }
0xab: {  	_ =	task [dreg:s7], $0x5FFFF  }
0xac: {  	[dreg:$0x1] =	wrdreg $0xFFFFFFFF  }
0xad: {  	[dreg:$0x0] =	wrdreg $0x60  }
0xae: {  	[dreg:$0x2] =	wrdreg s2  }
0xaf: {  	[dreg:$0x3] =	wrdreg s24  }
0xb0: {  	[dreg:$0x4] =	wrdreg $0x90000  }
0xb1: {  	[dreg:$0x5] =	wrdreg $0x9  }
0xb2: {  	_ =	task.clear_ibuf [dreg:s7], $0x6FFFF;
	_ =	strace $0x90000049  }
0xb3: {  	s29 =	simm.s32 $0x9;
	_ =	strace $0x8000004B  }
0xb4: {  	_ =	swait.ge [sflag:s29], $0x1  }
0xb5: {  	[sflag:s29] =	ssyncadd.s32 $0xFFFFFFFF  }
0xb6: {  	_ =	strace $0x9000004B  }
0xb7: {  	_ =	sfence  }
0xb8: {  	s30 =	sld [smem:$0x0];
	_ =	sdelay $0x2  }
0xb9: {  	s31 =	sshll.u32 s1, $0xD;
	s1 =	sshrl.u32 s1, $0x2  }
0xba: {  	s3 =	sand.u32 $0x4000, s31;
	s1 =	sadd.s32 s1, s30  }
0xbb: {  	s0 =	sor.u32 s3, s0;
	s1 =	sshll.u32 s1, $0x11  }
0xbc: {  	s0 =	sor.u32 s1, s0  }
0xbd: {  	s0 =	sadd.s32 $0x8F2B, s0  }
0xbe: {  	[sflag:s0] =	ssyncadd.remote.s32 $0x1  }
0xbf: {  	_ =	sfence.sel $0xFFFF  }
0xc0: {  	[dreg:$0x0] =	wrdreg $0xFFFFFFFF;
	(pc) =	sbr.abs _section_cstart, $3  }
0xc1: {  	[dreg:$0x1] =	wrdreg $0xFFFFFFFF  }
0xc2: {  	_ =	task.clear_ibuf [dreg:s7], $0x2FFFF;
	_ =	strace $0x9FFFFFFF  }
0xc3: {  	(tm) =	ssettm $0x7FFFFFFF  }
tec
execute0_lowered:
.L_overlay_start_1:
0x0: {  	(tag) =	ssettag $0x1  }
0x1: {  	s2 =	rddreg [dreg:$0x0]  }
0x2: {  	s1 =	srdreg.scid;
	s6 =	rddreg [dreg:$0x1]  }
0x3: {  	s0 =	stileid.u32;
	s3 =	rddreg [dreg:$0x2];
	s4 =	simm.s32 $0x0  }
0x4: {  	s14 =	simm.s32 $0x5000;
	s15 =	simm.s32 $0x3;
	s16 =	simm.s32 $0x2800  }
0x5: {  	s17 =	simm.s32 $0x80;
	s18 =	simm.s32 $0x1;
	s19 =	simm.s32 $0x2  }
0x6: {  	s21 =	simm.s32 $0x0;
	s5 =	sand.u32 $0x1, s1;
	s9 =	smul.u32 $0x14000, s0  }
0x7: {  	s26 =	sshll.u32 s0, $0x1;
	[smem:$0x7FF] =	sst s4;
	s10 =	smul.u32 $0x50000, s0  }
0x8: {  	s20 =	sshll.u32 s0, $0x6;
	s1 =	sor.u32 s5, s26;
	s8 =	smul.u32 $0x140000, s5  }
0x9: {  	s29 =	ssub.s32 $0x2, s5;
	s20 =	sor.u32 $0x1C03, s20;
	s7 =	smul.u32 $0x500, s1  }
0xa: {  	s1 =	rddreg [dreg:$0x3];
	_ =	strace $0x8000004A;
	s30 =	sshrl.u32 s10, $0x2  }
0xb: {  	s31 =	sshrl.u32 s29, $0x1;
	s28 =	sadd.s32 s9, s8;
	s5 =	sadd.s32 s30, s3  }
0xc: {  	s13 =	ssub.s32 s29, s31;
	s11 =	sadd.s32 s7, s6;
	s7 =	sshrl.u32 s28, $0x3  }
0xd: {  	s8 =	sadd.s32 $0xC000, s5;
	s9 =	sadd.s32 $0x10000, s5;
	s13 =	smax.u32 s13, $0x1  }
0xe: {  	s12 =	sadd.s32 s7, s6;
	s6 =	sadd.s32 $0x4000, s5;
	s7 =	sadd.s32 $0x8000, s5  }
0xf: {  	v0 =	vimm.f32 $0.0e+00;
	s10 =	sadd.s32 $0x1400, s11;
	s11 =	sadd.s32 $0xB400, s11;
	s12 =	sadd.s32 $0x15400, s12  }
.LBB2_1:
0x10: {  	s22 =	sand.u32 $0xFE00, s4  }
0x11: {  	s23 =	sand.u32 $0x70, s4;
	s24 =	sshrl.u32 s22, $0x2  }
0x12: {  	s22 =	simm.s32 $0x40;
	s24 =	sor.u32 s23, s24;
	s23 =	simm.s32 $0x0  }
.LBB2_2:
0x13: {  	p0 =	sne.s32 s22, $0xFFC0  }
0x14: {  	[tilespmem:s24+$0x5000] =	vst v0;
	s23 =	sadd.s32 $0x10, s23;
	s24 =	smov.u32 s22;
	s22 =	sadd.s32 $0x40, s22  }
.Ltmp0:
0x15: {  	(pc) =	sbr.rel @p0 .LBB2_2-.Ltmp0, $4  }
0x16: {  	_ = 	snop  }
0x17: {  	s24 =	sand.u32 $0xFE00, s24  }
0x18: {  	s25 =	sand.u32 $0x70, s23;
	s24 =	sshrl.u32 s24, $0x2  }
0x19: {  	s24 =	sor.u32 s25, s24  }
0x1a: {  	[tilespmem:s24+$0x5000] =	vst v0  }
0x1b: {  	[spmem:s5] =	stream.linear.scatter [tilespmem:s14], [sflag:$0x3], $0x4000, $0x38;
	[tilespmem:$0x1D000] =	vst v63  }
0x1c: {  	_ =	swait.ge [sflag:s15], $0x4000  }
0x1d: {  	[sflag:s15] =	ssyncset.done $0x0  }
0x1e: {  	[sflag:s15] =	ssyncadd.s32 $0xFFFFC000  }
0x1f: {  	[spmem:s6] =	stream.linear.scatter [tilespmem:s14], [sflag:$0x3], $0x4000, $0x38;
	[tilespmem:$0x1D000] =	vst v63  }
0x20: {  	_ =	swait.ge [sflag:s15], $0x4000  }
0x21: {  	[sflag:s15] =	ssyncset.done $0x0  }
0x22: {  	[sflag:s15] =	ssyncadd.s32 $0xFFFFC000  }
0x23: {  	[spmem:s7] =	stream.linear.scatter [tilespmem:s14], [sflag:$0x3], $0x4000, $0x38;
	[tilespmem:$0x1D000] =	vst v63  }
0x24: {  	_ =	swait.ge [sflag:s15], $0x4000  }
0x25: {  	[sflag:s15] =	ssyncset.done $0x0  }
0x26: {  	[sflag:s15] =	ssyncadd.s32 $0xFFFFC000  }
0x27: {  	[spmem:s8] =	stream.linear.scatter [tilespmem:s14], [sflag:$0x3], $0x4000, $0x38;
	[tilespmem:$0x1D000] =	vst v63  }
0x28: {  	_ =	swait.ge [sflag:s15], $0x4000  }
0x29: {  	[sflag:s15] =	ssyncset.done $0x0  }
0x2a: {  	[sflag:s15] =	ssyncadd.s32 $0xFFFFC000  }
0x2b: {  	[spmem:s9] =	stream.linear.scatter [tilespmem:s14], [sflag:$0x3], $0x4000, $0x38;
	[tilespmem:$0x1D000] =	vst v63  }
0x2c: {  	_ =	swait.ge [sflag:s15], $0x4000  }
0x2d: {  	[sflag:s15] =	ssyncset.done $0x0  }
0x2e: {  	s22 =	simm.s32 $0x0;
	[sflag:s15] =	ssyncadd.s32 $0xFFFFC000  }
0x2f: {  	[tilespmem:s22], [sflag:$0x3] =	stream.linear.gather [hbm4b:s10+s22], $0x2800, $0x38;
	[tilespmem:$0x1D000] =	vst v63  }
0x30: {  	_ =	swait.ge [sflag:s15], $0x2800  }
0x31: {  	[sflag:s15] =	ssyncset.done $0x0  }
0x32: {  	[sflag:s15] =	ssyncadd.s32 $0xFFFFD800  }
0x33: {  	[tilespmem:s16], [sflag:$0x3] =	stream.linear.gather [hbm4b:s11+s22], $0x2800, $0x38;
	[tilespmem:$0x1D000] =	vst v63  }
0x34: {  	_ =	swait.ge [sflag:s15], $0x2800  }
0x35: {  	[sflag:s15] =	ssyncset.done $0x0  }
0x36: {  	[sflag:s15] =	ssyncadd.s32 $0xFFFFD800  }
0x37: {  	s30 =	simm.s32 $0x0;
	[bflag:$0x0] =	sbarrier.arrive $0xFFFF  }
0x38: {  	[tilespmem:s14], [sflag:$0x1] =	stream.indirect.gather [hbm4b:s2+s17], $0x80, s30, s17, $0xb8;
	[tilespmem:$0x1D000] =	vst v63  }
0x39: {  	_ =	swait.ge [sflag:s18], $0x4000  }
0x3a: {  	[sflag:s18] =	ssyncset.done $0x0  }
0x3b: {  	s31 =	simm.s32 $0x2800;
	[sflag:s18] =	ssyncadd.s32 $0xFFFFC000  }
0x3c: {  	[spmem:s3] =	stream.indirect.scatter.add.f32 [tilespmem:s14], [sflag:$0x2], $0x80, s31, s17, $0xb8;
	[tilespmem:$0x1D000] =	vst v63  }
0x3d: {  	_ =	swait.ge [sflag:s19], $0x4000  }
0x3e: {  	s23 =	simm.s32 $0x400;
	s22 =	simm.s32 $0x200;
	[sflag:s19] =	ssyncset.done $0x0  }
.LBB2_4:
0x3f: {  	s24 =	sshra.s32 s22, $0x2  }
0x40: {  	[sflag:s19] =	ssyncadd.s32 $0xFFFFC000;
	s22 =	smov.u32 s23;
	s25 =	sadd.s32 $0x200, s23  }
0x41: {  	[tilespmem:s14], [sflag:$0x1] =	stream.indirect.gather [hbm4b:s2+s17], $0x80, s24, s17, $0xb8;
	[tilespmem:$0x1D000] =	vst v63  }
0x42: {  	p0 =	sne.s32 s23, $0x9E00;
	_ =	swait.ge [sflag:s18], $0x4000  }
.Ltmp1:
0x43: {  	[sflag:s18] =	ssyncset.done $0x0;
	(pc) =	sbr.rel @p0 .LBB2_4-.Ltmp1, $4  }
0x44: {  	s23 =	sadd.s32 $0x2800, s24;
	[sflag:s18] =	ssyncadd.s32 $0xFFFFC000  }
0x45: {  	[spmem:s3] =	stream.indirect.scatter.add.f32 [tilespmem:s14], [sflag:$0x2], $0x80, s23, s17, $0xb8;
	[tilespmem:$0x1D000] =	vst v63  }
0x46: {  	_ =	swait.ge [sflag:s19], $0x4000  }
0x47: {  	s23 =	smov.u32 s25;
	[sflag:s19] =	ssyncset.done $0x0  }
0x48: {  	s22 =	sshra.s32 s22, $0x2;
	[sflag:s19] =	ssyncadd.s32 $0xFFFFC000  }
0x49: {  	[tilespmem:s14], [sflag:$0x1] =	stream.indirect.gather [hbm4b:s2+s17], $0x80, s22, s17, $0xb8;
	[tilespmem:$0x1D000] =	vst v63  }
0x4a: {  	_ =	swait.ge [sflag:s18], $0x4000  }
0x4b: {  	[sflag:s18] =	ssyncset.done $0x0  }
0x4c: {  	s22 =	sadd.s32 $0x2800, s22;
	[sflag:s18] =	ssyncadd.s32 $0xFFFFC000  }
0x4d: {  	[spmem:s3] =	stream.indirect.scatter.add.f32 [tilespmem:s14], [sflag:$0x2], $0x80, s22, s17, $0xb8;
	[tilespmem:$0x1D000] =	vst v63  }
0x4e: {  	_ =	swait.ge [sflag:s19], $0x4000  }
0x4f: {  	s21 =	sadd.s32 $0x1, s21;
	[sflag:s19] =	ssyncset.done $0x0  }
0x50: {  	p0 =	sne.s32 s21, s13;
	[sflag:s19] =	ssyncadd.s32 $0xFFFFC000  }
.Ltmp2:
0x51: {  	s31 =	sshrl.u32 s5, $0x3;
	[bflag:$0x0] =	sbarrier.arrive $0xFFFF;
	(pc) =	sbr.rel @p0 .LBB2_1-.Ltmp2, $4  }
0x52: {  	[hbm:s12], [sflag:s20] =	dma.local [spmem:s31], $0x2800  }
0x53: {  	_ =	swait.ge [sflag:s15], $0x2800  }
0x54: {  	[sflag:s15] =	ssyncset.done $0x0  }
0x55: {  	[sflag:s15] =	ssyncadd.s32 $0xFFFFD800  }
0x56: {  	_ =	sfence.sel $0x180000  }
0x57: {  	[bflag:$0x0] =	sbarrier.arrive $0xFFFF  }
0x58: {  	p0 =	sne.s32 s0, $0x0;
	_ =	strace $0x9000004A  }
0x59: {  	s0 =	sadd.s32 @!p0 $0x100000, s1;
	[bflag:$0x2] =	sbarrier.arrive $0xFFFF  }
0x5a: {  	[sflag:s0] =	ssyncadd.tile.s32 @!p0 $0x1;
	_ =	shalt  }
.Lfunc_end2:
_tile_overlayer_lowered:
.L_overlay_start_2:
0x5b: {  	(tag) =	ssettag $0x2  }
0x5c: {  	s0 =	rddreg [dreg:$0x0];
	s2 =	stileid.u32  }
0x5d: {  	s1 =	rddreg [dreg:$0x1];
	p0 =	sne.s32 s2, $0x0  }
0x5e: {  	s3 =	rddreg [dreg:$0x2];
	[bflag:$0x3] =	sbarrier.arrive $0xFFFF;
	s2 =	simm.s32 @!p0 $0x1C03  }
0x5f: {  	[timem:s3], [sflag:s2] =	dma.local @!p0 [hbm:s0], s1  }
0x60: {  	s0 =	simm.s32 @!p0 $0x3  }
0x61: {  	_ =	swait.ge @!p0 [sflag:s0], s1  }
0x62: {  	s1 =	ssub.s32 @!p0 $0x0, s1;
	[sflag:s0] =	ssyncset.done @!p0 $0x0  }
0x63: {  	[sflag:s0] =	ssyncadd.s32 @!p0 s1  }
0x64: {  	[bflag:$0x3] =	sbarrier.arrive $0xFFFF  }
0x65: {  	_ =	shalt  }

</sc_bundles>
